<compile_context>
chip_gen: v7x
topology: tpu7x:2x2x1
jax: 0.10.2.dev20260603
libtpu: 0.0.44.dev20260713+nightly
codegen_flags: <defaults>
</compile_context>

<pallas_src>
import functools

import jax
import jax.numpy as jnp
from jax import lax
from jax.experimental import pallas as pl
from jax.experimental.pallas import tpu as pltpu
from jax.experimental.pallas import tpu_sc as plsc

D = 300
DP = 384
B = 4096 * 200
NC, NS = 2, 16
NW = NC * NS
BPW = B // NW
C = 128
NCHUNK = BPW // C
NPAIR = NCHUNK // 2

_mesh = plsc.VectorSubcoreMesh(core_axis_name="c", subcore_axis_name="s")


@functools.partial(
    pl.kernel,
    out_type=jax.ShapeDtypeStruct((B, DP), jnp.float32),
    mesh=_mesh,
    scratch_types=[
        pltpu.VMEM((BPW,), jnp.int32),
        pltpu.VMEM((C, DP), jnp.float32),
        pltpu.VMEM((C, DP), jnp.float32),
        pltpu.SemaphoreType.DMA,
        pltpu.SemaphoreType.DMA,
        pltpu.SemaphoreType.DMA,
        pltpu.SemaphoreType.DMA,
    ],
)
def _gather_kernel(idx_hbm, table_hbm, out_hbm,
                   idx_v, rows0, rows1, g0, g1, o0, o1):
    wid = lax.axis_index("s") * NC + lax.axis_index("c")
    base = wid * BPW
    pltpu.sync_copy(idx_hbm.at[pl.ds(base, BPW)], idx_v)

    def gather(g, rows, sem):
        return pltpu.make_async_copy(
            table_hbm.at[idx_v.at[pl.ds(g * C, C)]], rows, sem)

    def store(g, rows, sem):
        return pltpu.make_async_copy(
            rows, out_hbm.at[pl.ds(base + g * C, C)], sem)

    gather(0, rows0, g0).start()
    gather(1, rows1, g1).start()

    def pair(i, _):
        a = 2 * i
        gather(a, rows0, g0).wait()
        store(a, rows0, o0).start()
        gather(a + 1, rows1, g1).wait()
        store(a + 1, rows1, o1).start()
        store(a, rows0, o0).wait()
        gather(a + 2, rows0, g0).start()
        store(a + 1, rows1, o1).wait()
        gather(a + 3, rows1, g1).start()
        return 0

    lax.fori_loop(0, NPAIR - 1, pair, 0)

    last = NCHUNK - 2
    gather(last, rows0, g0).wait()
    store(last, rows0, o0).start()
    gather(last + 1, rows1, g1).wait()
    store(last + 1, rows1, o1).start()
    store(last, rows0, o0).wait()
    store(last + 1, rows1, o1).wait()


_VB = 1024
_NVB = (100002 + _VB - 1) // _VB


def _padT_body(tT_ref, out_ref):
    blk = tT_ref[...].T
    out_ref[...] = jnp.concatenate(
        [blk, jnp.zeros((_VB, DP - D), jnp.float32)], axis=1)


_pad_kernel = pl.pallas_call(
    _padT_body,
    grid=(_NVB,),
    in_specs=[pl.BlockSpec((D, _VB), lambda i: (0, i))],
    out_specs=pl.BlockSpec((_VB, DP), lambda i: (i, 0)),
    out_shape=jax.ShapeDtypeStruct((_NVB * _VB, DP), jnp.float32),
)


def kernel(inputs, table):
    idx = inputs.reshape(-1).astype(jnp.int32)
    table_p = _pad_kernel(table.T)
    out = _gather_kernel(idx, table_p)
    return out[:, :D].reshape(inputs.shape[0], inputs.shape[1], D)

# --- scband reference (transcript-rebuilt; emitter-appended) ---
"""Pipeline reference for scband-glove-embedding-21973052686429 (READ-ONLY COPY).

The authoritative reference and input builder live on the scoring server;
editing this copy changes nothing except your own understanding.
"""

import jax, jax.numpy as jnp
import numpy as np

VOCAB = 100000
NUM_TOKENS = VOCAB + 2
EMBED_DIM = 300
BATCH = 4096
HIST = 200

def setup_inputs(seed: int = 0) -> dict:
    key = jax.random.key(seed)
    k1, k2 = jax.random.split(key)
    inputs = jax.random.randint(k1, (BATCH, HIST), 0, VOCAB, dtype=jnp.int64) if jax.config.jax_enable_x64 else jax.random.randint(k1, (BATCH, HIST), 0, VOCAB, dtype=jnp.int32)
    table = jax.random.normal(k2, (NUM_TOKENS, EMBED_DIM), dtype=jnp.float32) * 0.02
    return {"inputs": inputs, "table": table}

def reference(inputs, table):
    # vectorizer step abstracted: inputs are already integer token ids
    # embedding lookup (gather)
    embeddings = jnp.take(table, inputs, axis=0)
    return embeddings

if __name__ == "__main__":
    import jax
    _d = setup_inputs()
    print(jax.jit(kernel)(*tuple(_d.values())))

</pallas_src>

<mosaic_0001>
#map = affine_map<(d0, d1) -> (0)>
#map1 = affine_map<(d0, d1) -> (0, 0)>
module attributes {stable_mosaic.version = 14 : i64} {
  func.func @_gather_kernel(%arg0: i32, %arg1: i32, %arg2: memref<819200xi32, #tpu.memory_space<hbm>>, %arg3: memref<100352x384xf32, #tpu.memory_space<hbm>>, %arg4: memref<819200x384xf32, #tpu.memory_space<hbm>>, %arg5: memref<25600xi32, #tpu.memory_space<vmem>>, %arg6: memref<128x384xf32, #tpu.memory_space<vmem>>, %arg7: memref<128x384xf32, #tpu.memory_space<vmem>>, %arg8: memref<!tpu.dma_semaphore, #tpu.memory_space<semaphore_mem>>, %arg9: memref<!tpu.dma_semaphore, #tpu.memory_space<semaphore_mem>>, %arg10: memref<!tpu.dma_semaphore, #tpu.memory_space<semaphore_mem>>, %arg11: memref<!tpu.dma_semaphore, #tpu.memory_space<semaphore_mem>>) attributes {dimension_semantics = [#tpu.dimension_semantics<core_parallel>, #tpu.dimension_semantics<subcore_parallel>], iteration_bounds = array<i64: 2, 16>, scalar_prefetch = 0 : i64, scratch_operands = 7 : i64, tpu.core_type = #tpu.core_type<sc_vector_subcore>, window_params = [{transform_indices = #map}, {transform_indices = #map1}, {transform_indices = #map1}]} {
    %mul3A = arith.constant 2 : i32
    %mul3A_0 = arith.muli %arg1, %mul3A : i32
    %add3A = arith.addi %mul3A_0, %arg0 : i32
    %mul3A_1 = arith.constant 25600 : i32
    %mul3A_2 = arith.muli %add3A, %mul3A_1 : i32
    "tpu.region"() ({
      %run_scoped3A = tpu.sem_alloc : memref<!tpu.dma_semaphore, #tpu.memory_space<semaphore_mem>>
      %dma_start3A_51 = tpu.memref_slice %arg2[%mul3A_2] : memref<819200xi32, #tpu.memory_space<hbm>> -> memref<25600xi32, #tpu.memory_space<hbm>>
      %dma_start3A_52 = tpu.memref_slice %arg2[%mul3A_2] : memref<819200xi32, #tpu.memory_space<hbm>> -> memref<25600xi32, #tpu.memory_space<hbm>>
      tpu.enqueue_dma source(%dma_start3A_52 : memref<25600xi32, #tpu.memory_space<hbm>>) target(%arg5 : memref<25600xi32, #tpu.memory_space<vmem>>) target_semaphore(%run_scoped3A : memref<!tpu.dma_semaphore, #tpu.memory_space<semaphore_mem>>)
      %dma_wait3A_53 = tpu.memref_slice %arg2[%mul3A_2] : memref<819200xi32, #tpu.memory_space<hbm>> -> memref<25600xi32, #tpu.memory_space<hbm>>
      %dma_wait3A_54 = tpu.memref_slice %arg2[%mul3A_2] : memref<819200xi32, #tpu.memory_space<hbm>> -> memref<25600xi32, #tpu.memory_space<hbm>>
      tpu.wait_dma2 semaphore(%run_scoped3A : memref<!tpu.dma_semaphore, #tpu.memory_space<semaphore_mem>>) src(%dma_wait3A_54 : memref<25600xi32, #tpu.memory_space<hbm>>) dst(%arg5 : memref<25600xi32, #tpu.memory_space<vmem>>)
      tpu.yield
    }) : () -> ()
    %dma_start3A = arith.constant 0 : i32
    %dma_start3A_3 = tpu.memref_slice %arg5[%dma_start3A] : memref<25600xi32, #tpu.memory_space<vmem>> -> memref<128xi32, #tpu.memory_space<vmem>>
    %dma_start3A_4 = arith.constant 0 : i32
    %dma_start3A_5 = arith.constant 0 : i32
    %dma_start3A_6 = tpu.memref_slice %arg3[%dma_start3A_4, %dma_start3A_5] : memref<100352x384xf32, #tpu.memory_space<hbm>> -> memref<100352x384xf32, #tpu.memory_space<hbm>>
    tpu.enqueue_indirect_dma source(%dma_start3A_6 : memref<100352x384xf32, #tpu.memory_space<hbm>>) target(%arg6 : memref<128x384xf32, #tpu.memory_space<vmem>>) offsets(%dma_start3A_3 : memref<128xi32, #tpu.memory_space<vmem>>) semaphore(%arg8 : memref<!tpu.dma_semaphore, #tpu.memory_space<semaphore_mem>>)
    %dma_start3A_7 = arith.constant 128 : i32
    %dma_start3A_8 = tpu.memref_slice %arg5[%dma_start3A_7] : memref<25600xi32, #tpu.memory_space<vmem>> -> memref<128xi32, #tpu.memory_space<vmem>>
    %dma_start3A_9 = arith.constant 0 : i32
    %dma_start3A_10 = arith.constant 0 : i32
    %dma_start3A_11 = tpu.memref_slice %arg3[%dma_start3A_9, %dma_start3A_10] : memref<100352x384xf32, #tpu.memory_space<hbm>> -> memref<100352x384xf32, #tpu.memory_space<hbm>>
    tpu.enqueue_indirect_dma source(%dma_start3A_11 : memref<100352x384xf32, #tpu.memory_space<hbm>>) target(%arg7 : memref<128x384xf32, #tpu.memory_space<vmem>>) offsets(%dma_start3A_8 : memref<128xi32, #tpu.memory_space<vmem>>) semaphore(%arg9 : memref<!tpu.dma_semaphore, #tpu.memory_space<semaphore_mem>>)
    %scan3A = arith.constant 0 : i32
    %scan3A_12 = arith.constant 0 : i32
    %scan3A_13 = arith.constant 99 : i32
    %scan3A_14 = arith.addi %scan3A_12, %scan3A_13 : i32
    %scan3A_15 = arith.constant 1 : i32
    %scan3A_16 = scf.for %scan3A_51 = %scan3A_12 to %scan3A_14 step %scan3A_15 iter_args(%scan3A_52 = %scan3A) -> (i32)  : i32 {
      %mul3A_53 = arith.constant 2 : i32
      %mul3A_54 = arith.muli %mul3A_53, %scan3A_51 : i32
      %mul3A_55 = arith.constant 128 : i32
      %mul3A_56 = arith.muli %mul3A_54, %mul3A_55 : i32
      %dma_wait3A_57 = tpu.memref_slice %arg5[%mul3A_56] : memref<25600xi32, #tpu.memory_space<vmem>> -> memref<128xi32, #tpu.memory_space<vmem>>
      %dma_wait3A_58 = arith.constant 0 : i32
      %dma_wait3A_59 = arith.constant 0 : i32
      %dma_wait3A_60 = tpu.memref_slice %arg3[%dma_wait3A_58, %dma_wait3A_59] : memref<100352x384xf32, #tpu.memory_space<hbm>> -> memref<100352x384xf32, #tpu.memory_space<hbm>>
      tpu.wait_indirect_dma semaphore(%arg8 : memref<!tpu.dma_semaphore, #tpu.memory_space<semaphore_mem>>) src(%dma_wait3A_60 : memref<100352x384xf32, #tpu.memory_space<hbm>>) dst(%arg6 : memref<128x384xf32, #tpu.memory_space<vmem>>)
      %mul3A_61 = arith.constant 128 : i32
      %mul3A_62 = arith.muli %mul3A_54, %mul3A_61 : i32
      %add3A_63 = arith.addi %mul3A_2, %mul3A_62 : i32
      %dma_start3A_64 = arith.constant 0 : i32
      %dma_start3A_65 = tpu.memref_slice %arg4[%add3A_63, %dma_start3A_64] : memref<819200x384xf32, #tpu.memory_space<hbm>> -> memref<128x384xf32, #tpu.memory_space<hbm>>
      %dma_start3A_66 = arith.constant 0 : i32
      %dma_start3A_67 = tpu.memref_slice %arg4[%add3A_63, %dma_start3A_66] : memref<819200x384xf32, #tpu.memory_space<hbm>> -> memref<128x384xf32, #tpu.memory_space<hbm>>
      tpu.enqueue_dma source(%arg6 : memref<128x384xf32, #tpu.memory_space<vmem>>) target(%dma_start3A_67 : memref<128x384xf32, #tpu.memory_space<hbm>>) target_semaphore(%arg10 : memref<!tpu.dma_semaphore, #tpu.memory_space<semaphore_mem>>)
      %add3A_68 = arith.constant 1 : i32
      %add3A_69 = arith.addi %mul3A_54, %add3A_68 : i32
      %mul3A_70 = arith.constant 128 : i32
      %mul3A_71 = arith.muli %add3A_69, %mul3A_70 : i32
      %dma_wait3A_72 = tpu.memref_slice %arg5[%mul3A_71] : memref<25600xi32, #tpu.memory_space<vmem>> -> memref<128xi32, #tpu.memory_space<vmem>>
      %dma_wait3A_73 = arith.constant 0 : i32
      %dma_wait3A_74 = arith.constant 0 : i32
      %dma_wait3A_75 = tpu.memref_slice %arg3[%dma_wait3A_73, %dma_wait3A_74] : memref<100352x384xf32, #tpu.memory_space<hbm>> -> memref<100352x384xf32, #tpu.memory_space<hbm>>
      tpu.wait_indirect_dma semaphore(%arg9 : memref<!tpu.dma_semaphore, #tpu.memory_space<semaphore_mem>>) src(%dma_wait3A_75 : memref<100352x384xf32, #tpu.memory_space<hbm>>) dst(%arg7 : memref<128x384xf32, #tpu.memory_space<vmem>>)
      %add3A_76 = arith.constant 1 : i32
      %add3A_77 = arith.addi %mul3A_54, %add3A_76 : i32
      %mul3A_78 = arith.constant 128 : i32
      %mul3A_79 = arith.muli %add3A_77, %mul3A_78 : i32
      %add3A_80 = arith.addi %mul3A_2, %mul3A_79 : i32
      %dma_start3A_81 = arith.constant 0 : i32
      %dma_start3A_82 = tpu.memref_slice %arg4[%add3A_80, %dma_start3A_81] : memref<819200x384xf32, #tpu.memory_space<hbm>> -> memref<128x384xf32, #tpu.memory_space<hbm>>
      %dma_start3A_83 = arith.constant 0 : i32
      %dma_start3A_84 = tpu.memref_slice %arg4[%add3A_80, %dma_start3A_83] : memref<819200x384xf32, #tpu.memory_space<hbm>> -> memref<128x384xf32, #tpu.memory_space<hbm>>
      tpu.enqueue_dma source(%arg7 : memref<128x384xf32, #tpu.memory_space<vmem>>) target(%dma_start3A_84 : memref<128x384xf32, #tpu.memory_space<hbm>>) target_semaphore(%arg11 : memref<!tpu.dma_semaphore, #tpu.memory_space<semaphore_mem>>)
      %mul3A_85 = arith.constant 128 : i32
      %mul3A_86 = arith.muli %mul3A_54, %mul3A_85 : i32
      %add3A_87 = arith.addi %mul3A_2, %mul3A_86 : i32
      %dma_wait3A_88 = arith.constant 0 : i32
      %dma_wait3A_89 = tpu.memref_slice %arg4[%add3A_87, %dma_wait3A_88] : memref<819200x384xf32, #tpu.memory_space<hbm>> -> memref<128x384xf32, #tpu.memory_space<hbm>>
      %dma_wait3A_90 = arith.constant 0 : i32
      %dma_wait3A_91 = tpu.memref_slice %arg4[%add3A_87, %dma_wait3A_90] : memref<819200x384xf32, #tpu.memory_space<hbm>> -> memref<128x384xf32, #tpu.memory_space<hbm>>
      tpu.wait_dma2 semaphore(%arg10 : memref<!tpu.dma_semaphore, #tpu.memory_space<semaphore_mem>>) src(%arg6 : memref<128x384xf32, #tpu.memory_space<vmem>>) dst(%dma_wait3A_91 : memref<128x384xf32, #tpu.memory_space<hbm>>)
      %add3A_92 = arith.constant 2 : i32
      %add3A_93 = arith.addi %mul3A_54, %add3A_92 : i32
      %mul3A_94 = arith.constant 128 : i32
      %mul3A_95 = arith.muli %add3A_93, %mul3A_94 : i32
      %dma_start3A_96 = tpu.memref_slice %arg5[%mul3A_95] : memref<25600xi32, #tpu.memory_space<vmem>> -> memref<128xi32, #tpu.memory_space<vmem>>
      %dma_start3A_97 = arith.constant 0 : i32
      %dma_start3A_98 = arith.constant 0 : i32
      %dma_start3A_99 = tpu.memref_slice %arg3[%dma_start3A_97, %dma_start3A_98] : memref<100352x384xf32, #tpu.memory_space<hbm>> -> memref<100352x384xf32, #tpu.memory_space<hbm>>
      tpu.enqueue_indirect_dma source(%dma_start3A_99 : memref<100352x384xf32, #tpu.memory_space<hbm>>) target(%arg6 : memref<128x384xf32, #tpu.memory_space<vmem>>) offsets(%dma_start3A_96 : memref<128xi32, #tpu.memory_space<vmem>>) semaphore(%arg8 : memref<!tpu.dma_semaphore, #tpu.memory_space<semaphore_mem>>)
      %add3A_100 = arith.constant 1 : i32
      %add3A_101 = arith.addi %mul3A_54, %add3A_100 : i32
      %mul3A_102 = arith.constant 128 : i32
      %mul3A_103 = arith.muli %add3A_101, %mul3A_102 : i32
      %add3A_104 = arith.addi %mul3A_2, %mul3A_103 : i32
      %dma_wait3A_105 = arith.constant 0 : i32
      %dma_wait3A_106 = tpu.memref_slice %arg4[%add3A_104, %dma_wait3A_105] : memref<819200x384xf32, #tpu.memory_space<hbm>> -> memref<128x384xf32, #tpu.memory_space<hbm>>
      %dma_wait3A_107 = arith.constant 0 : i32
      %dma_wait3A_108 = tpu.memref_slice %arg4[%add3A_104, %dma_wait3A_107] : memref<819200x384xf32, #tpu.memory_space<hbm>> -> memref<128x384xf32, #tpu.memory_space<hbm>>
      tpu.wait_dma2 semaphore(%arg11 : memref<!tpu.dma_semaphore, #tpu.memory_space<semaphore_mem>>) src(%arg7 : memref<128x384xf32, #tpu.memory_space<vmem>>) dst(%dma_wait3A_108 : memref<128x384xf32, #tpu.memory_space<hbm>>)
      %add3A_109 = arith.constant 3 : i32
      %add3A_110 = arith.addi %mul3A_54, %add3A_109 : i32
      %mul3A_111 = arith.constant 128 : i32
      %mul3A_112 = arith.muli %add3A_110, %mul3A_111 : i32
      %dma_start3A_113 = tpu.memref_slice %arg5[%mul3A_112] : memref<25600xi32, #tpu.memory_space<vmem>> -> memref<128xi32, #tpu.memory_space<vmem>>
      %dma_start3A_114 = arith.constant 0 : i32
      %dma_start3A_115 = arith.constant 0 : i32
      %dma_start3A_116 = tpu.memref_slice %arg3[%dma_start3A_114, %dma_start3A_115] : memref<100352x384xf32, #tpu.memory_space<hbm>> -> memref<100352x384xf32, #tpu.memory_space<hbm>>
      tpu.enqueue_indirect_dma source(%dma_start3A_116 : memref<100352x384xf32, #tpu.memory_space<hbm>>) target(%arg7 : memref<128x384xf32, #tpu.memory_space<vmem>>) offsets(%dma_start3A_113 : memref<128xi32, #tpu.memory_space<vmem>>) semaphore(%arg9 : memref<!tpu.dma_semaphore, #tpu.memory_space<semaphore_mem>>)
      %scan3A_117 = arith.constant 0 : i32
      scf.yield %scan3A_117 : i32
    }
    %scan3A_17 = arith.constant 99 : i32
    %dma_wait3A = arith.constant 25344 : i32
    %dma_wait3A_18 = tpu.memref_slice %arg5[%dma_wait3A] : memref<25600xi32, #tpu.memory_space<vmem>> -> memref<128xi32, #tpu.memory_space<vmem>>
    %dma_wait3A_19 = arith.constant 0 : i32
    %dma_wait3A_20 = arith.constant 0 : i32
    %dma_wait3A_21 = tpu.memref_slice %arg3[%dma_wait3A_19, %dma_wait3A_20] : memref<100352x384xf32, #tpu.memory_space<hbm>> -> memref<100352x384xf32, #tpu.memory_space<hbm>>
    tpu.wait_indirect_dma semaphore(%arg8 : memref<!tpu.dma_semaphore, #tpu.memory_space<semaphore_mem>>) src(%dma_wait3A_21 : memref<100352x384xf32, #tpu.memory_space<hbm>>) dst(%arg6 : memref<128x384xf32, #tpu.memory_space<vmem>>)
    %add3A_22 = arith.constant 25344 : i32
    %add3A_23 = arith.addi %mul3A_2, %add3A_22 : i32
    %dma_start3A_24 = arith.constant 0 : i32
    %dma_start3A_25 = tpu.memref_slice %arg4[%add3A_23, %dma_start3A_24] : memref<819200x384xf32, #tpu.memory_space<hbm>> -> memref<128x384xf32, #tpu.memory_space<hbm>>
    %dma_start3A_26 = arith.constant 0 : i32
    %dma_start3A_27 = tpu.memref_slice %arg4[%add3A_23, %dma_start3A_26] : memref<819200x384xf32, #tpu.memory_space<hbm>> -> memref<128x384xf32, #tpu.memory_space<hbm>>
    tpu.enqueue_dma source(%arg6 : memref<128x384xf32, #tpu.memory_space<vmem>>) target(%dma_start3A_27 : memref<128x384xf32, #tpu.memory_space<hbm>>) target_semaphore(%arg10 : memref<!tpu.dma_semaphore, #tpu.memory_space<semaphore_mem>>)
    %dma_wait3A_28 = arith.constant 25472 : i32
    %dma_wait3A_29 = tpu.memref_slice %arg5[%dma_wait3A_28] : memref<25600xi32, #tpu.memory_space<vmem>> -> memref<128xi32, #tpu.memory_space<vmem>>
    %dma_wait3A_30 = arith.constant 0 : i32
    %dma_wait3A_31 = arith.constant 0 : i32
    %dma_wait3A_32 = tpu.memref_slice %arg3[%dma_wait3A_30, %dma_wait3A_31] : memref<100352x384xf32, #tpu.memory_space<hbm>> -> memref<100352x384xf32, #tpu.memory_space<hbm>>
    tpu.wait_indirect_dma semaphore(%arg9 : memref<!tpu.dma_semaphore, #tpu.memory_space<semaphore_mem>>) src(%dma_wait3A_32 : memref<100352x384xf32, #tpu.memory_space<hbm>>) dst(%arg7 : memref<128x384xf32, #tpu.memory_space<vmem>>)
    %add3A_33 = arith.constant 25472 : i32
    %add3A_34 = arith.addi %mul3A_2, %add3A_33 : i32
    %dma_start3A_35 = arith.constant 0 : i32
    %dma_start3A_36 = tpu.memref_slice %arg4[%add3A_34, %dma_start3A_35] : memref<819200x384xf32, #tpu.memory_space<hbm>> -> memref<128x384xf32, #tpu.memory_space<hbm>>
    %dma_start3A_37 = arith.constant 0 : i32
    %dma_start3A_38 = tpu.memref_slice %arg4[%add3A_34, %dma_start3A_37] : memref<819200x384xf32, #tpu.memory_space<hbm>> -> memref<128x384xf32, #tpu.memory_space<hbm>>
    tpu.enqueue_dma source(%arg7 : memref<128x384xf32, #tpu.memory_space<vmem>>) target(%dma_start3A_38 : memref<128x384xf32, #tpu.memory_space<hbm>>) target_semaphore(%arg11 : memref<!tpu.dma_semaphore, #tpu.memory_space<semaphore_mem>>)
    %add3A_39 = arith.constant 25344 : i32
    %add3A_40 = arith.addi %mul3A_2, %add3A_39 : i32
    %dma_wait3A_41 = arith.constant 0 : i32
    %dma_wait3A_42 = tpu.memref_slice %arg4[%add3A_40, %dma_wait3A_41] : memref<819200x384xf32, #tpu.memory_space<hbm>> -> memref<128x384xf32, #tpu.memory_space<hbm>>
    %dma_wait3A_43 = arith.constant 0 : i32
    %dma_wait3A_44 = tpu.memref_slice %arg4[%add3A_40, %dma_wait3A_43] : memref<819200x384xf32, #tpu.memory_space<hbm>> -> memref<128x384xf32, #tpu.memory_space<hbm>>
    tpu.wait_dma2 semaphore(%arg10 : memref<!tpu.dma_semaphore, #tpu.memory_space<semaphore_mem>>) src(%arg6 : memref<128x384xf32, #tpu.memory_space<vmem>>) dst(%dma_wait3A_44 : memref<128x384xf32, #tpu.memory_space<hbm>>)
    %add3A_45 = arith.constant 25472 : i32
    %add3A_46 = arith.addi %mul3A_2, %add3A_45 : i32
    %dma_wait3A_47 = arith.constant 0 : i32
    %dma_wait3A_48 = tpu.memref_slice %arg4[%add3A_46, %dma_wait3A_47] : memref<819200x384xf32, #tpu.memory_space<hbm>> -> memref<128x384xf32, #tpu.memory_space<hbm>>
    %dma_wait3A_49 = arith.constant 0 : i32
    %dma_wait3A_50 = tpu.memref_slice %arg4[%add3A_46, %dma_wait3A_49] : memref<819200x384xf32, #tpu.memory_space<hbm>> -> memref<128x384xf32, #tpu.memory_space<hbm>>
    tpu.wait_dma2 semaphore(%arg11 : memref<!tpu.dma_semaphore, #tpu.memory_space<semaphore_mem>>) src(%arg7 : memref<128x384xf32, #tpu.memory_space<vmem>>) dst(%dma_wait3A_50 : memref<128x384xf32, #tpu.memory_space<hbm>>)
    return
  }
}

module attributes {stable_mosaic.version = 14 : i64} {
  func.func @_padT_body(%arg0: i32, %arg1: memref<300x1024xf32, #tpu.memory_space<vmem>>, %arg2: memref<1024x384xf32, #tpu.memory_space<vmem>>) attributes {dimension_semantics = [#tpu.dimension_semantics<arbitrary>], iteration_bounds = array<i64: 98>, scalar_prefetch = 0 : i64, scratch_operands = 0 : i64, tpu.core_type = #tpu.core_type<tc>, window_params = [{transform_indices = @transform_0, window_bounds = array<i64: 300, 1024>}, {transform_indices = @transform_1, window_bounds = array<i64: 1024, 384>}]} {
    %get3A = arith.constant 0 : index
    %get3A_0 = arith.constant 0 : index
    %get3A_1 = vector.load %arg1[%get3A, %get3A_0] : memref<300x1024xf32, #tpu.memory_space<vmem>>, vector<300x1024xf32>
    %transpose3A = tpu.transpose %get3A_1, [1, 0] : vector<300x1024xf32> -> vector<1024x300xf32>
    %broadcast_in_dim3A = arith.constant 0.000000e+00 : f32
    %broadcast_in_dim3A_2 = vector.broadcast %broadcast_in_dim3A : f32 to vector<1024x84xf32>
    %concatenate3A = tpu.concatenate %transpose3A, %broadcast_in_dim3A_2 in 1 : vector<1024x300xf32>, vector<1024x84xf32> -> vector<1024x384xf32>
    %swap3A = arith.constant 0 : index
    %swap3A_3 = arith.constant 0 : index
    %swap3A_4 = vector.load %arg2[%swap3A, %swap3A_3] : memref<1024x384xf32, #tpu.memory_space<vmem>>, vector<1024x384xf32>
    tpu.vector_store %arg2[%swap3A, %swap3A_3], %concatenate3A {strides = array<i32>} : memref<1024x384xf32, #tpu.memory_space<vmem>>, vector<1024x384xf32>,
    return
  }
  func.func @transform_0(%arg0: i32) -> (i32, i32) {
    %c0_i32 = arith.constant 0 : i32
    %c0_i32_0 = arith.constant 0 : i32
    return %c0_i32, %arg0 : i32, i32
  }
  func.func @transform_1(%arg0: i32) -> (i32, i32) {
    %c0_i32 = arith.constant 0 : i32
    %c0_i32_0 = arith.constant 0 : i32
    return %arg0, %c0_i32 : i32, i32
  }
}

</mosaic_0001>

<sc_bundles>
// kernel: kernel.4.cloned.1.call-start
scs
__scs_entry_jumppad:
0x0: {  	(pc) =	sbr.rel $0x88, $3  }
0x1: {  	(tag) =	ssettag $0x0;
	lr =	simm.s32 $0x1  }
0x2: {  	[smem:$0x3F9F] =	sst lr;
	_ =	strace $0xD0000000  }
0x3: {  	_ = 	snop  }
0x4: {  	_ = 	snop  }
0x5: {  	_ = 	snop  }
0x6: {  	_ = 	snop  }
0x7: {  	_ = 	snop  }
__scs_overlays_trampoline_lowered:
0x8: {  	[smem:$0x3FAE] =	sst s0  }
0x9: {  	[smem:$0x3FAF] =	sst s1  }
0xa: {  	[smem:$0x3FB0] =	sst s2  }
0xb: {  	[smem:$0x3FB1] =	sst s3  }
0xc: {  	[smem:$0x3FB2] =	sst s4  }
0xd: {  	[smem:$0x3FB3] =	sst s5  }
0xe: {  	[smem:$0x3FB4] =	sst s6  }
0xf: {  	[smem:$0x3FB5] =	sst s7  }
0x10: {  	[smem:$0x3FB6] =	sst s8  }
0x11: {  	[smem:$0x3FB7] =	sst s9;
	s0 =	simm.s32 @!p0 $0x0  }
0x12: {  	s1 =	sld [smem:$0x3F9D];
	s0 =	simm.s32 @p0 $0x1  }
0x13: {  	[smem:$0x3FB8] =	sst s0;
	s0 =	simm.s32 @!p1 $0x0  }
0x14: {  	s2 =	sld [smem:$0x3F9C];
	s0 =	simm.s32 @p1 $0x1  }
0x15: {  	[smem:$0x3FB9] =	sst s0;
	s0 =	simm.s32 @!p2 $0x0  }
0x16: {  	s3 =	sld [smem:$0x3FDB];
	s0 =	simm.s32 @p2 $0x1  }
0x17: {  	s4 =	simm.s32 $0x1BF5;
	[smem:$0x3FBB] =	sst s0  }
0x18: {  	s0 =	sld [smem:$0x3F9E];
	_ =	swait.ge [sflag:s4], $0x0  }
0x19: {  	s7 =	sld [smem:$0x3F9F]  }
0x1a: {  	s8 =	sadd.s32 $0xFFFFE003, lr  }
0x1b: {  	s9 =	sadd.s32 $0xFFFFFEF7, lr;
	s5 =	simm.s32 $0xFFFFFFFF;
	p2 =	slt.u32 s8, $0xFFFFF086  }
0x1c: {  	p1 =	slt.u32 s9, $0xF7A;
	s5 =	simm.s32 @!p2 $0x0  }
0x1d: {  	s5 =	simm.s32 @p1 $0x1;
	p0 =	seq.s32 s7, s2  }
0x1e: {  	s7 =	smul.u32 @!p0 $0xF7A, s2;
	p2 =	seq.s32 @!p0 s5, $0x0  }
0x1f: {  	s9 =	smul.u32 $0xF7A, s1;
	s8 =	simm.s32 @!p0 $0x1BF5;
	p2 =	por !p2, p0  }
0x20: {  	[sflag:s8] =	ssyncset.s32 @!p0 $0xFFFFF086;
	s6 =	sadd.s32 @!p0 s3, s7;
	s7 =	simm.s32 @!p0 $0x108  }
0x21: {  	s3 =	sadd.s32 s3, s9;
	s6 =	sadd.s32 @!p0 $0x88, s6;
	s7 =	simm.s32 @p2 $0x1082  }
0x22: {  	[simem:s7], [sflag:s8] =	dma.local @!p0 [hbm:s6], $0xF7A  }
0x23: {  	s9 =	sor.u32 $0xD0000000, s2;
	s6 =	simm.s32 $0x108;
	_ =	swait.ge @!p0 [sflag:s8], $0x0  }
0x24: {  	s3 =	sadd.s32 $0x88, s3;
	s6 =	simm.s32 @!p1 $0x1082;
	[sflag:s4] =	ssyncset.s32 $0xFFFFF086  }
0x25: {  	[simem:s6], [sflag:s4] =	dma.local [hbm:s3], $0xF7A  }
0x26: {  	[smem:$0x3F9F] =	sst s1;
	(tag) =	ssettag s2;
	_ =	strace s9  }
0x27: {  	s1 =	sld [smem:$0x3FAF]  }
0x28: {  	s2 =	sld [smem:$0x3FB0]  }
0x29: {  	s4 =	sld [smem:$0x3FB2]  }
0x2a: {  	p0 =	seq.s32 s5, $0x0;
	s5 =	sld [smem:$0x3FB3]  }
0x2b: {  	s6 =	sld [smem:$0x3FB4]  }
0x2c: {  	s7 =	sld [smem:$0x3FB5]  }
0x2d: {  	s3 =	simm.s32 $0x108;
	s8 =	sld [smem:$0x3FB6]  }
0x2e: {  	s3 =	simm.s32 @!p0 $0x1082;
	s9 =	sld [smem:$0x3FB7]  }
0x2f: {  	lr =	sadd.s32 s0, s3;
	s0 =	sld [smem:$0x3FAE]  }
0x30: {  	s3 =	sld [smem:$0x3FB1]  }
0x31: {  	[smem:$0x3FBA] =	sst s10  }
0x32: {  	s10 =	sld [smem:$0x3FB8];
	_ =	sdelay $0x3  }
0x33: {  	p0 =	seq.s32 s10, $0x1;
	s10 =	sld [smem:$0x3FBA];
	_ =	sdelay $0x3  }
0x34: {  	[smem:$0x3FBA] =	sst s10  }
0x35: {  	s10 =	sld [smem:$0x3FB9];
	_ =	sdelay $0x3  }
0x36: {  	p1 =	seq.s32 s10, $0x1;
	s10 =	sld [smem:$0x3FBA];
	_ =	sdelay $0x3  }
0x37: {  	[smem:$0x3FBA] =	sst s10  }
0x38: {  	s10 =	sld [smem:$0x3FBB]  }
0x39: {  	_ = 	snop;
	(pc) =	sbr.ind lr, $3  }
0x3a: {  	_ = 	snop  }
0x3b: {  	_ = 	snop  }
0x3c: {  	p2 =	seq.s32 s10, $0x1;
	s10 =	sld [smem:$0x3FBA]  }
0x3d: {  	_ =	shalt  }
0x3e: {  	_ =	shalt  }
0x3f: {  	_ =	shalt  }
0x40: {  	_ =	shalt  }
0x41: {  	_ =	shalt  }
0x42: {  	_ =	shalt  }
0x43: {  	_ =	shalt  }
0x44: {  	_ =	shalt  }
0x45: {  	_ =	shalt  }
0x46: {  	_ =	shalt  }
0x47: {  	_ =	shalt  }
0x48: {  	_ =	shalt  }
0x49: {  	_ =	shalt  }
0x4a: {  	_ =	shalt  }
0x4b: {  	_ =	shalt  }
0x4c: {  	_ =	shalt  }
0x4d: {  	_ =	shalt  }
0x4e: {  	_ =	shalt  }
0x4f: {  	_ =	shalt  }
0x50: {  	_ =	shalt  }
0x51: {  	_ =	shalt  }
0x52: {  	_ =	shalt  }
0x53: {  	_ =	shalt  }
0x54: {  	_ =	shalt  }
0x55: {  	_ =	shalt  }
0x56: {  	_ =	shalt  }
0x57: {  	_ =	shalt  }
0x58: {  	_ =	shalt  }
0x59: {  	_ =	shalt  }
0x5a: {  	_ =	shalt  }
0x5b: {  	_ =	shalt  }
0x5c: {  	_ =	shalt  }
0x5d: {  	_ =	shalt  }
0x5e: {  	_ =	shalt  }
0x5f: {  	_ =	shalt  }
0x60: {  	_ =	shalt  }
0x61: {  	_ =	shalt  }
0x62: {  	_ =	shalt  }
0x63: {  	_ =	shalt  }
0x64: {  	_ =	shalt  }
0x65: {  	_ =	shalt  }
0x66: {  	_ =	shalt  }
0x67: {  	_ =	shalt  }
0x68: {  	_ =	shalt  }
0x69: {  	_ =	shalt  }
0x6a: {  	_ =	shalt  }
0x6b: {  	_ =	shalt  }
0x6c: {  	_ =	shalt  }
0x6d: {  	_ =	shalt  }
0x6e: {  	_ =	shalt  }
0x6f: {  	_ =	shalt  }
0x70: {  	_ =	shalt  }
0x71: {  	_ =	shalt  }
0x72: {  	_ =	shalt  }
0x73: {  	_ =	shalt  }
0x74: {  	_ =	shalt  }
0x75: {  	_ =	shalt  }
0x76: {  	_ =	shalt  }
0x77: {  	_ =	shalt  }
0x78: {  	_ =	shalt  }
0x79: {  	_ =	shalt  }
0x7a: {  	_ =	shalt  }
0x7b: {  	_ =	shalt  }
0x7c: {  	_ =	shalt  }
0x7d: {  	_ =	shalt  }
0x7e: {  	_ =	shalt  }
0x7f: {  	_ =	shalt  }
0x80: {  	_ =	shalt  }
0x81: {  	_ =	shalt  }
0x82: {  	_ =	shalt  }
0x83: {  	_ =	shalt  }
0x84: {  	_ =	shalt  }
0x85: {  	_ =	shalt  }
0x86: {  	_ =	shalt  }
0x87: {  	_ =	shalt  }
.Lfunc_end0:
.L_simem_size_0:
called_computation.1_lowered:
.L_overlay_start_0:
0x88: {  	s2 =	sld [smem:$0x3FD9]  }
0x89: {  	s3 =	sld [smem:$0x3FFE];
	_ =	sdelay $0x1  }
0x8a: {  	s1 =	srdreg.scid  }
0x8b: {  	s0 =	sand.u32 $0x1, s1  }
0x8c: {  	s17 =	sshll.u32 s0, $0xA;
	s2 =	sadd.s32 s3, s2  }
0x8d: {  	s2 =	sadd.s32 s2, s17  }
0x8e: {  	[smem:$0x3FC6] =	sst s2  }
0x8f: {  	_ = 	snop  }
0x90: {  	s2 =	sld [smem:$0x3FD0];
	(tm) =	ssettm $0x1  }
0x91: {  	s18 =	sld [smem:$0x3FFB];
	_ =	sdelay $0x3  }
0x92: {  	_ =	strace s18  }
0x93: {  	s3 =	sld [smem:$0x3FFC];
	_ =	sdelay $0x3  }
0x94: {  	_ =	strace s3  }
0x95: {  	s3 =	sld [smem:$0x3FFD];
	_ =	sdelay $0x3  }
0x96: {  	_ =	strace s3  }
0x97: {  	_ =	strace $0x8FFFFFFF  }
0x98: {  	s19 =	sld [smem:$0x3FDB];
	_ =	sdelay $0x1  }
0x99: {  	s4 =	simm.s32 $_scs_section_size  }
0x9a: {  	s5 =	simm.s32 $_size__tile_overlayer_lowered;
	s6 =	simm.s32 $_tile_overlayer_lowered  }
0x9b: {  	s22 =	simm.s32 $0x1BFF;
	s21 =	sshll.u32 s6, $0x1;
	s3 =	sadd.s32 s4, s19  }
0x9c: {  	s7 =	simm.s32 $0x0;
	s20 =	sshll.u32 s5, $0x1;
	s5 =	sadd.s32 s21, s3  }
0x9d: {  	[timem:s7], [sflag:s22] =	dma.local [hbm:s5], s20  }
0x9e: {  	_ =	swait.ge [sflag:s22], s20  }
0x9f: {  	s4 =	ssub.s32 $0x0, s20;
	[sflag:s22] =	ssyncset.done $0x0  }
0xa0: {  	[sflag:s22] =	ssyncadd.s32 s4;
	_ =	sdelay $0x1  }
0xa1: {  	s23 =	simm.s32 $0x1B8B  }
0xa2: {  	_ =	swait.ge [sflag:s23], $0x1  }
0xa3: {  	[sflag:s23] =	ssyncset.done $0x0  }
0xa4: {  	s25 =	simm.s32 $0x1B8E;
	s24 =	sld [smem:$0x3FFE];
	[sflag:s23] =	ssyncadd.s32 $0xFFFFFFFF  }
0xa5: {  	s26 =	simm.s32 $execute0_lowered;
	[smem:$0x3FD2] =	sst s25  }
0xa6: {  	s5 =	sshll.u32 s26, $0x1;
	_ =	strace $0x80000046;
	[dreg:$0x1] =	wrdreg $0xFFFFFFFF  }
0xa7: {  	s28 =	simm.s32 $_size_execute0_lowered;
	s3 =	sadd.s32 s3, s5;
	[dreg:$0x0] =	wrdreg $0x0  }
0xa8: {  	s5 =	sshll.u32 s28, $0x1;
	[dreg:$0x2] =	wrdreg s3  }
0xa9: {  	[dreg:$0x3] =	wrdreg s5  }
0xaa: {  	[dreg:$0x4] =	wrdreg $0xC0  }
0xab: {  	_ =	task [dreg:s7], $0x5FFFF  }
0xac: {  	[dreg:$0x1] =	wrdreg $0xFFFFFFFF  }
0xad: {  	[dreg:$0x0] =	wrdreg $0x60  }
0xae: {  	[dreg:$0x2] =	wrdreg s24  }
0xaf: {  	[dreg:$0x3] =	wrdreg s2  }
0xb0: {  	[dreg:$0x4] =	wrdreg $0x9  }
0xb1: {  	_ =	task.clear_ibuf [dreg:s7], $0x5FFFF;
	_ =	strace $0x90000046  }
0xb2: {  	s29 =	simm.s32 $0x9;
	_ =	strace $0x80000048  }
0xb3: {  	_ =	swait.ge [sflag:s29], $0x1  }
0xb4: {  	[sflag:s29] =	ssyncadd.s32 $0xFFFFFFFF  }
0xb5: {  	_ =	strace $0x90000048  }
0xb6: {  	_ =	sfence  }
0xb7: {  	s30 =	sld [smem:$0x0];
	_ =	sdelay $0x2  }
0xb8: {  	s31 =	sshll.u32 s1, $0xD;
	s1 =	sshrl.u32 s1, $0x2  }
0xb9: {  	s3 =	sand.u32 $0x4000, s31;
	s1 =	sadd.s32 s1, s30  }
0xba: {  	s0 =	sor.u32 s3, s0;
	s1 =	sshll.u32 s1, $0x11  }
0xbb: {  	s0 =	sor.u32 s1, s0  }
0xbc: {  	s0 =	sadd.s32 $0x8F2B, s0  }
0xbd: {  	[sflag:s0] =	ssyncadd.remote.s32 $0x1  }
0xbe: {  	_ =	sfence.sel $0xFFFF  }
0xbf: {  	[dreg:$0x0] =	wrdreg $0xFFFFFFFF;
	(pc) =	sbr.abs _section_cstart, $3  }
0xc0: {  	[dreg:$0x1] =	wrdreg $0xFFFFFFFF  }
0xc1: {  	_ =	task.clear_ibuf [dreg:s7], $0x2FFFF;
	_ =	strace $0x9FFFFFFF  }
0xc2: {  	(tm) =	ssettm $0x7FFFFFFF  }
0xc3: {  	_ =	shalt  }
tec
execute0_lowered:
.L_overlay_start_1:
0x0: {  	(tag) =	ssettag $0x1  }
0x1: {  	s0 =	srdreg.scid  }
0x2: {  	s5 =	stileid.u32;
	s4 =	rddreg [dreg:$0x0]  }
0x3: {  	s2 =	rddreg [dreg:$0x1];
	s3 =	simm.s32 $0x0;
	s15 =	simm.s32 $0x6400  }
0x4: {  	s28 =	simm.s32 $0x6C00;
	s29 =	simm.s32 $0x7800;
	s30 =	simm.s32 $0x7C00  }
0x5: {  	s20 =	simm.s32 $0x8400;
	s9 =	simm.s32 $0xA800;
	s11 =	simm.s32 $0xAC00  }
0x6: {  	s12 =	simm.s32 $0xB400;
	s13 =	simm.s32 $0xB800;
	s14 =	simm.s32 $0xC000  }
0x7: {  	s16 =	simm.s32 $0xC400;
	s17 =	simm.s32 $0xCC00;
	s18 =	simm.s32 $0xD000  }
0x8: {  	s19 =	simm.s32 $0xD800;
	s10 =	simm.s32 $0xE400;
	s31 =	simm.s32 $0xE800  }
0x9: {  	s21 =	simm.s32 $0x1;
	s22 =	simm.s32 $0x2;
	s23 =	simm.s32 $0x3  }
0xa: {  	s0 =	sand.u32 $0x1, s0;
	s1 =	sshll.u32 s5, $0x1;
	s5 =	smul.u32 $0xC800, s5  }
0xb: {  	s1 =	sor.u32 s0, s1;
	s6 =	smul.u32 $0x6400, s0;
	s0 =	ssub.s32 $0x2, s0  }
0xc: {  	[smem:$0x7FF] =	sst s3;
	s1 =	smul.u32 $0x6400, s1;
	s8 =	sshrl.u32 s0, $0x1  }
0xd: {  	_ =	strace $0x80000047;
	s5 =	sadd.s32 s6, s5;
	s0 =	ssub.s32 s0, s8  }
0xe: {  	s8 =	simm.s32 $0xA000;
	s1 =	sshrl.u32 s1, $0x3;
	s6 =	sshrl.u32 s5, $0x3  }
0xf: {  	s5 =	sor.u32 $0x80, s5;
	s7 =	sadd.s32 s1, s4;
	s1 =	smul.u32 $0x180, s1  }
0x10: {  	s0 =	smax.u32 s0, $0x1;
	s4 =	sadd.s32 $0x19800, s4;
	s6 =	smul.u32 $0x180, s6  }
0x11: {  	s5 =	sshrl.u32 s5, $0x3;
	[dreg:$0x8] =	wrdreg s0;
	s0 =	simm.s32 $0x8800  }
0x12: {  	s7 =	sadd.s32 $0x800, s7;
	s24 =	smul.u32 $0x180, s5;
	s5 =	sadd.s32 $0x100, s2  }
0x13: {  	[dreg:$0x5] =	wrdreg s7;
	s1 =	sadd.s32 s4, s1;
	s6 =	sadd.s32 s6, s4  }
0x14: {  	s7 =	simm.s32 $0x9C00;
	s25 =	sadd.s32 $0x129000, s1;
	[dreg:$0x3] =	wrdreg s6  }
0x15: {  	s1 =	sadd.s32 $0x12A800, s1;
	s26 =	sadd.s32 s24, s4;
	[dreg:$0x6] =	wrdreg s25  }
0x16: {  	v2 =	vlaneseq.u32;
	s4 =	simm.s32 $0x9000;
	s6 =	simm.s32 $0x9400;
	[dreg:$0x7] =	wrdreg s1  }
0x17: {  	vm0 =	vmmov $0xffff;
	vm1 =	vmmov $0xff;
	v1 =	vshrl.u32 v2, $0x3;
	s24 =	simm.s32 $0x4;
	[dreg:$0x4] =	wrdreg s26;
	s25 =	simm.s32 $0x0  }
0x18: {  	v0 =	vand.u32 $0x7, v2;
	v2 =	vor.u32 $0x8, v2;
	v1 =	vmul.u32 $0x8, v1;
	s26 =	simm.s32 $0x7000;
	s1 =	simm.s32 $0x12400;
	[dreg:$0x9] =	wrdreg s25  }
.LBB2_1:
0x19: {  	s25 =	rddreg [dreg:$0x5]  }
0x1a: {  	[tilespmem:s3], [sflag:$0x5] =	stream.linear.gather [hbm4b:s25+s3], $0x6400, $0x38;
	[tilespmem:$0x1E400] =	vst v63  }
0x1b: {  	s25 =	simm.s32 $0x5  }
0x1c: {  	_ =	swait.ge [sflag:s25], $0x6400  }
0x1d: {  	[sflag:s25] =	ssyncset.done $0x0  }
0x1e: {  	[sflag:s25] =	ssyncadd.s32 $0xFFFF9C00  }
0x1f: {  	v3 =	vld [tilespmem:$0x0];
	_ =	sdelay $0x4  }
0x20: {  	v4 =	vshrl.u32 v3, $0x3  }
0x21: {  	v4 =	vmul.u32 $0x18, v4  }
0x22: {  	v3 =	vand.u32 $0x7, v3  }
0x23: {  	v3 =	vor.u32 v3, v4  }
0x24: {  	v4 =	vperm.xlane v3, v0;
	_ =	sdelay $0x1  }
0x25: {  	v4 =	vadd.s32 v1, v4;
	_ =	sdelay $0x1  }
0x26: {  	v3 =	vperm.xlane v3, v2;
	_ =	sdelay $0x1  }
0x27: {  	v3 =	vadd.s32 v1, v3  }
0x28: {  	[tilespmem:s15], [sflag:$0x1] =	stream.indirect_vreg.gather [hbm4b:s2+s3], $0x80, v4, vm0, $0xb8;
	[tilespmem:$0x1E400] =	vst v63  }
0x29: {  	_ = 	snop  }
0x2a: {  	[tilespmem:s28], [sflag:$0x1] =	stream.indirect_vreg.gather [hbm4b:s5+s3], $0x80, v4, vm1, $0xb8;
	[tilespmem:$0x1E400] =	vst v63  }
0x2b: {  	_ = 	snop  }
0x2c: {  	[tilespmem:s26], [sflag:$0x1] =	stream.indirect_vreg.gather [hbm4b:s2+s3], $0x80, v3, vm0, $0xb8;
	[tilespmem:$0x1E400] =	vst v63  }
0x2d: {  	_ = 	snop  }
0x2e: {  	[tilespmem:s29], [sflag:$0x1] =	stream.indirect_vreg.gather [hbm4b:s5+s3], $0x80, v3, vm1, $0xb8;
	[tilespmem:$0x1E400] =	vst v63  }
0x2f: {  	v3 =	vld [tilespmem:$0x10];
	_ =	sdelay $0x4  }
0x30: {  	v49 =	vshrl.u32 v3, $0x3  }
0x31: {  	v4 =	vmul.u32 $0x18, v49  }
0x32: {  	v3 =	vand.u32 $0x7, v3  }
0x33: {  	v3 =	vor.u32 v3, v4  }
0x34: {  	v4 =	vperm.xlane v3, v0;
	_ =	sdelay $0x1  }
0x35: {  	v4 =	vadd.s32 v1, v4;
	_ =	sdelay $0x1  }
0x36: {  	v3 =	vperm.xlane v3, v2;
	_ =	sdelay $0x1  }
0x37: {  	v3 =	vadd.s32 v1, v3  }
0x38: {  	[tilespmem:s30], [sflag:$0x1] =	stream.indirect_vreg.gather [hbm4b:s2+s3], $0x80, v4, vm0, $0xb8;
	[tilespmem:$0x1E400] =	vst v63  }
0x39: {  	_ = 	snop  }
0x3a: {  	[tilespmem:s20], [sflag:$0x1] =	stream.indirect_vreg.gather [hbm4b:s5+s3], $0x80, v4, vm1, $0xb8;
	[tilespmem:$0x1E400] =	vst v63  }
0x3b: {  	_ = 	snop  }
0x3c: {  	[tilespmem:s0], [sflag:$0x1] =	stream.indirect_vreg.gather [hbm4b:s2+s3], $0x80, v3, vm0, $0xb8;
	[tilespmem:$0x1E400] =	vst v63  }
0x3d: {  	_ = 	snop  }
0x3e: {  	[tilespmem:s4], [sflag:$0x1] =	stream.indirect_vreg.gather [hbm4b:s5+s3], $0x80, v3, vm1, $0xb8;
	[tilespmem:$0x1E400] =	vst v63  }
0x3f: {  	v3 =	vld [tilespmem:$0x20];
	_ =	sdelay $0x4  }
0x40: {  	v50 =	vshrl.u32 v3, $0x3  }
0x41: {  	v4 =	vmul.u32 $0x18, v50  }
0x42: {  	v3 =	vand.u32 $0x7, v3  }
0x43: {  	v3 =	vor.u32 v3, v4  }
0x44: {  	v4 =	vperm.xlane v3, v0;
	_ =	sdelay $0x1  }
0x45: {  	v4 =	vadd.s32 v1, v4;
	_ =	sdelay $0x1  }
0x46: {  	v3 =	vperm.xlane v3, v2;
	_ =	sdelay $0x1  }
0x47: {  	v3 =	vadd.s32 v1, v3  }
0x48: {  	[tilespmem:s6], [sflag:$0x1] =	stream.indirect_vreg.gather [hbm4b:s2+s3], $0x80, v4, vm0, $0xb8;
	[tilespmem:$0x1E400] =	vst v63  }
0x49: {  	_ = 	snop  }
0x4a: {  	[tilespmem:s7], [sflag:$0x1] =	stream.indirect_vreg.gather [hbm4b:s5+s3], $0x80, v4, vm1, $0xb8;
	[tilespmem:$0x1E400] =	vst v63  }
0x4b: {  	_ = 	snop  }
0x4c: {  	[tilespmem:s8], [sflag:$0x1] =	stream.indirect_vreg.gather [hbm4b:s2+s3], $0x80, v3, vm0, $0xb8;
	[tilespmem:$0x1E400] =	vst v63  }
0x4d: {  	_ = 	snop  }
0x4e: {  	[tilespmem:s9], [sflag:$0x1] =	stream.indirect_vreg.gather [hbm4b:s5+s3], $0x80, v3, vm1, $0xb8;
	[tilespmem:$0x1E400] =	vst v63  }
0x4f: {  	v3 =	vld [tilespmem:$0x30];
	_ =	sdelay $0x4  }
0x50: {  	v51 =	vshrl.u32 v3, $0x3  }
0x51: {  	v4 =	vmul.u32 $0x18, v51  }
0x52: {  	v3 =	vand.u32 $0x7, v3  }
0x53: {  	v3 =	vor.u32 v3, v4  }
0x54: {  	v4 =	vperm.xlane v3, v0;
	_ =	sdelay $0x1  }
0x55: {  	v4 =	vadd.s32 v1, v4;
	_ =	sdelay $0x1  }
0x56: {  	v3 =	vperm.xlane v3, v2;
	_ =	sdelay $0x1  }
0x57: {  	v3 =	vadd.s32 v1, v3  }
0x58: {  	[tilespmem:s11], [sflag:$0x1] =	stream.indirect_vreg.gather [hbm4b:s2+s3], $0x80, v4, vm0, $0xb8;
	[tilespmem:$0x1E400] =	vst v63  }
0x59: {  	_ = 	snop  }
0x5a: {  	[tilespmem:s12], [sflag:$0x1] =	stream.indirect_vreg.gather [hbm4b:s5+s3], $0x80, v4, vm1, $0xb8;
	[tilespmem:$0x1E400] =	vst v63  }
0x5b: {  	_ = 	snop  }
0x5c: {  	[tilespmem:s13], [sflag:$0x1] =	stream.indirect_vreg.gather [hbm4b:s2+s3], $0x80, v3, vm0, $0xb8;
	[tilespmem:$0x1E400] =	vst v63  }
0x5d: {  	_ = 	snop  }
0x5e: {  	[tilespmem:s14], [sflag:$0x1] =	stream.indirect_vreg.gather [hbm4b:s5+s3], $0x80, v3, vm1, $0xb8;
	[tilespmem:$0x1E400] =	vst v63  }
0x5f: {  	v3 =	vld [tilespmem:$0x40];
	_ =	sdelay $0x4  }
0x60: {  	v52 =	vshrl.u32 v3, $0x3  }
0x61: {  	v4 =	vmul.u32 $0x18, v52  }
0x62: {  	v3 =	vand.u32 $0x7, v3  }
0x63: {  	v3 =	vor.u32 v3, v4  }
0x64: {  	v4 =	vperm.xlane v3, v0;
	_ =	sdelay $0x1  }
0x65: {  	v4 =	vadd.s32 v1, v4;
	_ =	sdelay $0x1  }
0x66: {  	v3 =	vperm.xlane v3, v2;
	_ =	sdelay $0x1  }
0x67: {  	v3 =	vadd.s32 v1, v3  }
0x68: {  	[tilespmem:s16], [sflag:$0x1] =	stream.indirect_vreg.gather [hbm4b:s2+s3], $0x80, v4, vm0, $0xb8;
	[tilespmem:$0x1E400] =	vst v63  }
0x69: {  	_ = 	snop  }
0x6a: {  	[tilespmem:s17], [sflag:$0x1] =	stream.indirect_vreg.gather [hbm4b:s5+s3], $0x80, v4, vm1, $0xb8;
	[tilespmem:$0x1E400] =	vst v63  }
0x6b: {  	_ = 	snop  }
0x6c: {  	[tilespmem:s18], [sflag:$0x1] =	stream.indirect_vreg.gather [hbm4b:s2+s3], $0x80, v3, vm0, $0xb8;
	[tilespmem:$0x1E400] =	vst v63  }
0x6d: {  	_ = 	snop  }
0x6e: {  	[tilespmem:s19], [sflag:$0x1] =	stream.indirect_vreg.gather [hbm4b:s5+s3], $0x80, v3, vm1, $0xb8;
	[tilespmem:$0x1E400] =	vst v63  }
0x6f: {  	v3 =	vld [tilespmem:$0x50];
	_ =	sdelay $0x4  }
0x70: {  	v53 =	vshrl.u32 v3, $0x3  }
0x71: {  	v4 =	vmul.u32 $0x18, v53  }
0x72: {  	v3 =	vand.u32 $0x7, v3  }
0x73: {  	v3 =	vor.u32 v3, v4  }
0x74: {  	v4 =	vperm.xlane v3, v0;
	_ =	sdelay $0x1  }
0x75: {  	v4 =	vadd.s32 v1, v4;
	_ =	sdelay $0x1  }
0x76: {  	v3 =	vperm.xlane v3, v2;
	_ =	sdelay $0x1  }
0x77: {  	s9 =	simm.s32 $0xDC00;
	v3 =	vadd.s32 v1, v3  }
0x78: {  	[tilespmem:s9], [sflag:$0x1] =	stream.indirect_vreg.gather [hbm4b:s2+s3], $0x80, v4, vm0, $0xb8;
	[tilespmem:$0x1E400] =	vst v63  }
0x79: {  	_ = 	snop  }
0x7a: {  	[tilespmem:s10], [sflag:$0x1] =	stream.indirect_vreg.gather [hbm4b:s5+s3], $0x80, v4, vm1, $0xb8;
	[tilespmem:$0x1E400] =	vst v63  }
0x7b: {  	_ = 	snop  }
0x7c: {  	[tilespmem:s31], [sflag:$0x1] =	stream.indirect_vreg.gather [hbm4b:s2+s3], $0x80, v3, vm0, $0xb8;
	[tilespmem:$0x1E400] =	vst v63  }
0x7d: {  	s10 =	simm.s32 $0xF000  }
0x7e: {  	[tilespmem:s10], [sflag:$0x1] =	stream.indirect_vreg.gather [hbm4b:s5+s3], $0x80, v3, vm1, $0xb8;
	[tilespmem:$0x1E400] =	vst v63  }
0x7f: {  	v3 =	vld [tilespmem:$0x60];
	_ =	sdelay $0x4  }
0x80: {  	v54 =	vshrl.u32 v3, $0x3  }
0x81: {  	v4 =	vmul.u32 $0x18, v54  }
0x82: {  	v3 =	vand.u32 $0x7, v3  }
0x83: {  	v3 =	vor.u32 v3, v4  }
0x84: {  	v4 =	vperm.xlane v3, v0;
	_ =	sdelay $0x1  }
0x85: {  	v4 =	vadd.s32 v1, v4;
	_ =	sdelay $0x1  }
0x86: {  	v3 =	vperm.xlane v3, v2;
	_ =	sdelay $0x1  }
0x87: {  	s11 =	simm.s32 $0xF400;
	v3 =	vadd.s32 v1, v3  }
0x88: {  	[tilespmem:s11], [sflag:$0x1] =	stream.indirect_vreg.gather [hbm4b:s2+s3], $0x80, v4, vm0, $0xb8;
	[tilespmem:$0x1E400] =	vst v63  }
0x89: {  	s12 =	simm.s32 $0xFC00  }
0x8a: {  	[tilespmem:s12], [sflag:$0x1] =	stream.indirect_vreg.gather [hbm4b:s5+s3], $0x80, v4, vm1, $0xb8;
	[tilespmem:$0x1E400] =	vst v63  }
0x8b: {  	s13 =	simm.s32 $0x10000  }
0x8c: {  	[tilespmem:s13], [sflag:$0x1] =	stream.indirect_vreg.gather [hbm4b:s2+s3], $0x80, v3, vm0, $0xb8;
	[tilespmem:$0x1E400] =	vst v63  }
0x8d: {  	s14 =	simm.s32 $0x10800  }
0x8e: {  	[tilespmem:s14], [sflag:$0x1] =	stream.indirect_vreg.gather [hbm4b:s5+s3], $0x80, v3, vm1, $0xb8;
	[tilespmem:$0x1E400] =	vst v63  }
0x8f: {  	v3 =	vld [tilespmem:$0x70];
	_ =	sdelay $0x4  }
0x90: {  	v55 =	vshrl.u32 v3, $0x3  }
0x91: {  	v4 =	vmul.u32 $0x18, v55  }
0x92: {  	v3 =	vand.u32 $0x7, v3  }
0x93: {  	v3 =	vor.u32 v3, v4  }
0x94: {  	v4 =	vperm.xlane v3, v0;
	_ =	sdelay $0x1  }
0x95: {  	v4 =	vadd.s32 v1, v4;
	_ =	sdelay $0x1  }
0x96: {  	v3 =	vperm.xlane v3, v2;
	_ =	sdelay $0x1  }
0x97: {  	s15 =	simm.s32 $0x10C00;
	v3 =	vadd.s32 v1, v3  }
0x98: {  	[tilespmem:s15], [sflag:$0x1] =	stream.indirect_vreg.gather [hbm4b:s2+s3], $0x80, v4, vm0, $0xb8;
	[tilespmem:$0x1E400] =	vst v63  }
0x99: {  	s16 =	simm.s32 $0x11400  }
0x9a: {  	[tilespmem:s16], [sflag:$0x1] =	stream.indirect_vreg.gather [hbm4b:s5+s3], $0x80, v4, vm1, $0xb8;
	[tilespmem:$0x1E400] =	vst v63  }
0x9b: {  	s17 =	simm.s32 $0x11800  }
0x9c: {  	[tilespmem:s17], [sflag:$0x1] =	stream.indirect_vreg.gather [hbm4b:s2+s3], $0x80, v3, vm0, $0xb8;
	[tilespmem:$0x1E400] =	vst v63  }
0x9d: {  	s18 =	simm.s32 $0x12000  }
0x9e: {  	[tilespmem:s18], [sflag:$0x1] =	stream.indirect_vreg.gather [hbm4b:s5+s3], $0x80, v3, vm1, $0xb8;
	[tilespmem:$0x1E400] =	vst v63  }
0x9f: {  	v3 =	vld [tilespmem:$0x80];
	_ =	sdelay $0x4  }
0xa0: {  	v56 =	vshrl.u32 v3, $0x3  }
0xa1: {  	v4 =	vmul.u32 $0x18, v56  }
0xa2: {  	v3 =	vand.u32 $0x7, v3  }
0xa3: {  	v3 =	vor.u32 v3, v4  }
0xa4: {  	v4 =	vperm.xlane v3, v0;
	_ =	sdelay $0x1  }
0xa5: {  	v4 =	vadd.s32 v1, v4;
	_ =	sdelay $0x1  }
0xa6: {  	v3 =	vperm.xlane v3, v2;
	_ =	sdelay $0x1  }
0xa7: {  	v3 =	vadd.s32 v1, v3  }
0xa8: {  	[tilespmem:s1], [sflag:$0x2] =	stream.indirect_vreg.gather [hbm4b:s2+s3], $0x80, v4, vm0, $0xb8;
	[tilespmem:$0x1E400] =	vst v63  }
0xa9: {  	s19 =	simm.s32 $0x12C00  }
0xaa: {  	[tilespmem:s19], [sflag:$0x2] =	stream.indirect_vreg.gather [hbm4b:s5+s3], $0x80, v4, vm1, $0xb8;
	[tilespmem:$0x1E400] =	vst v63  }
0xab: {  	s20 =	simm.s32 $0x13000  }
0xac: {  	[tilespmem:s20], [sflag:$0x2] =	stream.indirect_vreg.gather [hbm4b:s2+s3], $0x80, v3, vm0, $0xb8;
	[tilespmem:$0x1E400] =	vst v63  }
0xad: {  	s25 =	simm.s32 $0x13800  }
0xae: {  	[tilespmem:s25], [sflag:$0x2] =	stream.indirect_vreg.gather [hbm4b:s5+s3], $0x80, v3, vm1, $0xb8;
	[tilespmem:$0x1E400] =	vst v63  }
0xaf: {  	v3 =	vld [tilespmem:$0x90];
	_ =	sdelay $0x4  }
0xb0: {  	v57 =	vshrl.u32 v3, $0x3  }
0xb1: {  	v4 =	vmul.u32 $0x18, v57  }
0xb2: {  	v3 =	vand.u32 $0x7, v3  }
0xb3: {  	v3 =	vor.u32 v3, v4  }
0xb4: {  	v4 =	vperm.xlane v3, v0;
	_ =	sdelay $0x1  }
0xb5: {  	v4 =	vadd.s32 v1, v4;
	_ =	sdelay $0x1  }
0xb6: {  	v3 =	vperm.xlane v3, v2;
	_ =	sdelay $0x1  }
0xb7: {  	s26 =	simm.s32 $0x13C00;
	v3 =	vadd.s32 v1, v3  }
0xb8: {  	[tilespmem:s26], [sflag:$0x2] =	stream.indirect_vreg.gather [hbm4b:s2+s3], $0x80, v4, vm0, $0xb8;
	[tilespmem:$0x1E400] =	vst v63  }
0xb9: {  	s28 =	simm.s32 $0x14400  }
0xba: {  	[tilespmem:s28], [sflag:$0x2] =	stream.indirect_vreg.gather [hbm4b:s5+s3], $0x80, v4, vm1, $0xb8;
	[tilespmem:$0x1E400] =	vst v63  }
0xbb: {  	s29 =	simm.s32 $0x14800  }
0xbc: {  	[tilespmem:s29], [sflag:$0x2] =	stream.indirect_vreg.gather [hbm4b:s2+s3], $0x80, v3, vm0, $0xb8;
	[tilespmem:$0x1E400] =	vst v63  }
0xbd: {  	s1 =	simm.s32 $0x15000  }
0xbe: {  	[tilespmem:s1], [sflag:$0x2] =	stream.indirect_vreg.gather [hbm4b:s5+s3], $0x80, v3, vm1, $0xb8;
	[tilespmem:$0x1E400] =	vst v63  }
0xbf: {  	v3 =	vld [tilespmem:$0xA0];
	_ =	sdelay $0x4  }
0xc0: {  	v58 =	vshrl.u32 v3, $0x3  }
0xc1: {  	v4 =	vmul.u32 $0x18, v58  }
0xc2: {  	v3 =	vand.u32 $0x7, v3  }
0xc3: {  	v3 =	vor.u32 v3, v4  }
0xc4: {  	v4 =	vperm.xlane v3, v0;
	_ =	sdelay $0x1  }
0xc5: {  	v4 =	vadd.s32 v1, v4;
	_ =	sdelay $0x1  }
0xc6: {  	v3 =	vperm.xlane v3, v2;
	_ =	sdelay $0x1  }
0xc7: {  	s4 =	simm.s32 $0x15400;
	v3 =	vadd.s32 v1, v3  }
0xc8: {  	[tilespmem:s4], [sflag:$0x2] =	stream.indirect_vreg.gather [hbm4b:s2+s3], $0x80, v4, vm0, $0xb8;
	[tilespmem:$0x1E400] =	vst v63  }
0xc9: {  	s6 =	simm.s32 $0x15C00  }
0xca: {  	[tilespmem:s6], [sflag:$0x2] =	stream.indirect_vreg.gather [hbm4b:s5+s3], $0x80, v4, vm1, $0xb8;
	[tilespmem:$0x1E400] =	vst v63  }
0xcb: {  	s7 =	simm.s32 $0x16000  }
0xcc: {  	[tilespmem:s7], [sflag:$0x2] =	stream.indirect_vreg.gather [hbm4b:s2+s3], $0x80, v3, vm0, $0xb8;
	[tilespmem:$0x1E400] =	vst v63  }
0xcd: {  	s8 =	simm.s32 $0x16800  }
0xce: {  	[tilespmem:s8], [sflag:$0x2] =	stream.indirect_vreg.gather [hbm4b:s5+s3], $0x80, v3, vm1, $0xb8;
	[tilespmem:$0x1E400] =	vst v63  }
0xcf: {  	v3 =	vld [tilespmem:$0xB0];
	_ =	sdelay $0x4  }
0xd0: {  	v59 =	vshrl.u32 v3, $0x3  }
0xd1: {  	v4 =	vmul.u32 $0x18, v59  }
0xd2: {  	v3 =	vand.u32 $0x7, v3  }
0xd3: {  	v3 =	vor.u32 v3, v4  }
0xd4: {  	v4 =	vperm.xlane v3, v0;
	_ =	sdelay $0x1  }
0xd5: {  	v4 =	vadd.s32 v1, v4;
	_ =	sdelay $0x1  }
0xd6: {  	v3 =	vperm.xlane v3, v2;
	_ =	sdelay $0x1  }
0xd7: {  	s9 =	simm.s32 $0x16C00;
	v3 =	vadd.s32 v1, v3  }
0xd8: {  	[tilespmem:s9], [sflag:$0x2] =	stream.indirect_vreg.gather [hbm4b:s2+s3], $0x80, v4, vm0, $0xb8;
	[tilespmem:$0x1E400] =	vst v63  }
0xd9: {  	s10 =	simm.s32 $0x17400  }
0xda: {  	[tilespmem:s10], [sflag:$0x2] =	stream.indirect_vreg.gather [hbm4b:s5+s3], $0x80, v4, vm1, $0xb8;
	[tilespmem:$0x1E400] =	vst v63  }
0xdb: {  	s11 =	simm.s32 $0x17800  }
0xdc: {  	[tilespmem:s11], [sflag:$0x2] =	stream.indirect_vreg.gather [hbm4b:s2+s3], $0x80, v3, vm0, $0xb8;
	[tilespmem:$0x1E400] =	vst v63  }
0xdd: {  	s12 =	simm.s32 $0x18000  }
0xde: {  	[tilespmem:s12], [sflag:$0x2] =	stream.indirect_vreg.gather [hbm4b:s5+s3], $0x80, v3, vm1, $0xb8;
	[tilespmem:$0x1E400] =	vst v63  }
0xdf: {  	v3 =	vld [tilespmem:$0xC0];
	_ =	sdelay $0x4  }
0xe0: {  	v60 =	vshrl.u32 v3, $0x3  }
0xe1: {  	v4 =	vmul.u32 $0x18, v60  }
0xe2: {  	v3 =	vand.u32 $0x7, v3  }
0xe3: {  	v3 =	vor.u32 v3, v4  }
0xe4: {  	v4 =	vperm.xlane v3, v0;
	_ =	sdelay $0x1  }
0xe5: {  	v4 =	vadd.s32 v1, v4;
	_ =	sdelay $0x1  }
0xe6: {  	v3 =	vperm.xlane v3, v2;
	_ =	sdelay $0x1  }
0xe7: {  	s13 =	simm.s32 $0x18400;
	v3 =	vadd.s32 v1, v3  }
0xe8: {  	[tilespmem:s13], [sflag:$0x2] =	stream.indirect_vreg.gather [hbm4b:s2+s3], $0x80, v4, vm0, $0xb8;
	[tilespmem:$0x1E400] =	vst v63  }
0xe9: {  	s14 =	simm.s32 $0x18C00  }
0xea: {  	[tilespmem:s14], [sflag:$0x2] =	stream.indirect_vreg.gather [hbm4b:s5+s3], $0x80, v4, vm1, $0xb8;
	[tilespmem:$0x1E400] =	vst v63  }
0xeb: {  	s15 =	simm.s32 $0x19000  }
0xec: {  	[tilespmem:s15], [sflag:$0x2] =	stream.indirect_vreg.gather [hbm4b:s2+s3], $0x80, v3, vm0, $0xb8;
	[tilespmem:$0x1E400] =	vst v63  }
0xed: {  	s16 =	simm.s32 $0x19800  }
0xee: {  	[tilespmem:s16], [sflag:$0x2] =	stream.indirect_vreg.gather [hbm4b:s5+s3], $0x80, v3, vm1, $0xb8;
	[tilespmem:$0x1E400] =	vst v63  }
0xef: {  	v3 =	vld [tilespmem:$0xD0];
	_ =	sdelay $0x4  }
0xf0: {  	v61 =	vshrl.u32 v3, $0x3  }
0xf1: {  	v4 =	vmul.u32 $0x18, v61  }
0xf2: {  	v3 =	vand.u32 $0x7, v3  }
0xf3: {  	v3 =	vor.u32 v3, v4  }
0xf4: {  	v4 =	vperm.xlane v3, v0;
	_ =	sdelay $0x1  }
0xf5: {  	v4 =	vadd.s32 v1, v4;
	_ =	sdelay $0x1  }
0xf6: {  	v3 =	vperm.xlane v3, v2;
	_ =	sdelay $0x1  }
0xf7: {  	s17 =	simm.s32 $0x19C00;
	v3 =	vadd.s32 v1, v3  }
0xf8: {  	[tilespmem:s17], [sflag:$0x2] =	stream.indirect_vreg.gather [hbm4b:s2+s3], $0x80, v4, vm0, $0xb8;
	[tilespmem:$0x1E400] =	vst v63  }
0xf9: {  	s18 =	simm.s32 $0x1A400  }
0xfa: {  	[tilespmem:s18], [sflag:$0x2] =	stream.indirect_vreg.gather [hbm4b:s5+s3], $0x80, v4, vm1, $0xb8;
	[tilespmem:$0x1E400] =	vst v63  }
0xfb: {  	s19 =	simm.s32 $0x1A800  }
0xfc: {  	[tilespmem:s19], [sflag:$0x2] =	stream.indirect_vreg.gather [hbm4b:s2+s3], $0x80, v3, vm0, $0xb8;
	[tilespmem:$0x1E400] =	vst v63  }
0xfd: {  	s20 =	simm.s32 $0x1B000  }
0xfe: {  	[tilespmem:s20], [sflag:$0x2] =	stream.indirect_vreg.gather [hbm4b:s5+s3], $0x80, v3, vm1, $0xb8;
	[tilespmem:$0x1E400] =	vst v63  }
0xff: {  	v3 =	vld [tilespmem:$0xE0];
	_ =	sdelay $0x4  }
0x100: {  	v62 =	vshrl.u32 v3, $0x3  }
0x101: {  	v4 =	vmul.u32 $0x18, v62  }
0x102: {  	v3 =	vand.u32 $0x7, v3  }
0x103: {  	v3 =	vor.u32 v3, v4  }
0x104: {  	v4 =	vperm.xlane v3, v0;
	_ =	sdelay $0x1  }
0x105: {  	v4 =	vadd.s32 v1, v4;
	_ =	sdelay $0x1  }
0x106: {  	v3 =	vperm.xlane v3, v2;
	_ =	sdelay $0x1  }
0x107: {  	s25 =	simm.s32 $0x1B400;
	v3 =	vadd.s32 v1, v3  }
0x108: {  	[tilespmem:s25], [sflag:$0x2] =	stream.indirect_vreg.gather [hbm4b:s2+s3], $0x80, v4, vm0, $0xb8;
	[tilespmem:$0x1E400] =	vst v63  }
0x109: {  	s26 =	simm.s32 $0x1BC00  }
0x10a: {  	[tilespmem:s26], [sflag:$0x2] =	stream.indirect_vreg.gather [hbm4b:s5+s3], $0x80, v4, vm1, $0xb8;
	[tilespmem:$0x1E400] =	vst v63  }
0x10b: {  	s28 =	simm.s32 $0x1C000  }
0x10c: {  	[tilespmem:s28], [sflag:$0x2] =	stream.indirect_vreg.gather [hbm4b:s2+s3], $0x80, v3, vm0, $0xb8;
	[tilespmem:$0x1E400] =	vst v63  }
0x10d: {  	s29 =	simm.s32 $0x1C800  }
0x10e: {  	[tilespmem:s29], [sflag:$0x2] =	stream.indirect_vreg.gather [hbm4b:s5+s3], $0x80, v3, vm1, $0xb8;
	[tilespmem:$0x1E400] =	vst v63  }
0x10f: {  	v3 =	vld [tilespmem:$0xF0];
	_ =	sdelay $0x4  }
0x110: {  	v63 =	vshrl.u32 v3, $0x3  }
0x111: {  	v4 =	vmul.u32 $0x18, v63  }
0x112: {  	v3 =	vand.u32 $0x7, v3  }
0x113: {  	v3 =	vor.u32 v3, v4  }
0x114: {  	v4 =	vperm.xlane v3, v0;
	_ =	sdelay $0x1  }
0x115: {  	v4 =	vadd.s32 v1, v4  }
0x116: {  	s30 =	simm.s32 $0xE800;
	s0 =	simm.s32 $0x1D400  }
0x117: {  	s31 =	simm.s32 $0x1CC00;
	s4 =	simm.s32 $0x1D800;
	s6 =	simm.s32 $0x1E000;
	v3 =	vperm.xlane v3, v2  }
0x118: {  	s7 =	simm.s32 $0x9C00;
	s8 =	simm.s32 $0xA000;
	s9 =	simm.s32 $0xA800  }
0x119: {  	s10 =	simm.s32 $0xE400;
	s11 =	simm.s32 $0xAC00;
	s12 =	simm.s32 $0xB400;
	v3 =	vadd.s32 v1, v3  }
0x11a: {  	[tilespmem:s31], [sflag:$0x2] =	stream.indirect_vreg.gather [hbm4b:s2+s3], $0x80, v4, vm0, $0xb8;
	[tilespmem:$0x1E400] =	vst v63  }
0x11b: {  	s13 =	simm.s32 $0xB800;
	s14 =	simm.s32 $0xC000;
	s16 =	simm.s32 $0xC400  }
0x11c: {  	[tilespmem:s0], [sflag:$0x2] =	stream.indirect_vreg.gather [hbm4b:s5+s3], $0x80, v4, vm1, $0xb8;
	[tilespmem:$0x1E400] =	vst v63  }
0x11d: {  	s17 =	simm.s32 $0xCC00;
	s18 =	simm.s32 $0xD000;
	s19 =	simm.s32 $0xD800  }
0x11e: {  	[tilespmem:s4], [sflag:$0x2] =	stream.indirect_vreg.gather [hbm4b:s2+s3], $0x80, v3, vm0, $0xb8;
	[tilespmem:$0x1E400] =	vst v63  }
0x11f: {  	s20 =	simm.s32 $0xDC00;
	s25 =	simm.s32 $0x1F0;
	s26 =	simm.s32 $0x0  }
0x120: {  	[tilespmem:s6], [sflag:$0x2] =	stream.indirect_vreg.gather [hbm4b:s5+s3], $0x80, v3, vm1, $0xb8;
	[tilespmem:$0x1E400] =	vst v63  }
.LBB2_2:
0x121: {  	_ =	swait.ge [sflag:s21], $0xC000  }
0x122: {  	s28 =	rddreg [dreg:$0x3];
	[sflag:s21] =	ssyncset.done $0x0  }
0x123: {  	s1 =	simm.s32 $0x6400;
	[sflag:s21] =	ssyncadd.s32 $0xFFFF4000;
	s28 =	sadd.s32 s26, s28  }
0x124: {  	[hbm4b:s28+s3] =	stream.linear.scatter [tilespmem:s1], [sflag:$0x3], $0xC000, $0x38;
	[tilespmem:$0x1E400] =	vst v63  }
0x125: {  	_ =	swait.ge [sflag:s22], $0xC000  }
0x126: {  	s28 =	rddreg [dreg:$0x4];
	[sflag:s22] =	ssyncset.done $0x0  }
0x127: {  	s29 =	simm.s32 $0x12400;
	[sflag:s22] =	ssyncadd.s32 $0xFFFF4000;
	s28 =	sadd.s32 s26, s28  }
0x128: {  	[hbm4b:s28+s3] =	stream.linear.scatter [tilespmem:s29], [sflag:$0x4], $0xC000, $0x38;
	[tilespmem:$0x1E400] =	vst v63  }
0x129: {  	_ =	swait.ge [sflag:s23], $0xC000  }
0x12a: {  	[sflag:s23] =	ssyncset.done $0x0  }
0x12b: {  	[sflag:s23] =	ssyncadd.s32 $0xFFFF4000  }
0x12c: {  	v3 =	vld [tilespmem:s25+$0xFFFFFF10];
	_ =	sdelay $0x4  }
0x12d: {  	v4 =	vshrl.u32 v3, $0x3  }
0x12e: {  	v4 =	vmul.u32 $0x18, v4  }
0x12f: {  	v3 =	vand.u32 $0x7, v3  }
0x130: {  	v3 =	vor.u32 v3, v4  }
0x131: {  	v4 =	vperm.xlane v3, v0;
	_ =	sdelay $0x1  }
0x132: {  	v4 =	vadd.s32 v1, v4;
	_ =	sdelay $0x1  }
0x133: {  	v3 =	vperm.xlane v3, v2;
	_ =	sdelay $0x1  }
0x134: {  	v3 =	vadd.s32 v1, v3  }
0x135: {  	[tilespmem:s1], [sflag:$0x1] =	stream.indirect_vreg.gather [hbm4b:s2+s3], $0x80, v4, vm0, $0xb8;
	[tilespmem:$0x1E400] =	vst v63  }
0x136: {  	s28 =	simm.s32 $0x6C00  }
0x137: {  	[tilespmem:s28], [sflag:$0x1] =	stream.indirect_vreg.gather [hbm4b:s5+s3], $0x80, v4, vm1, $0xb8;
	[tilespmem:$0x1E400] =	vst v63  }
0x138: {  	s1 =	simm.s32 $0x7000  }
0x139: {  	[tilespmem:s1], [sflag:$0x1] =	stream.indirect_vreg.gather [hbm4b:s2+s3], $0x80, v3, vm0, $0xb8;
	[tilespmem:$0x1E400] =	vst v63  }
0x13a: {  	s1 =	simm.s32 $0x7800  }
0x13b: {  	[tilespmem:s1], [sflag:$0x1] =	stream.indirect_vreg.gather [hbm4b:s5+s3], $0x80, v3, vm1, $0xb8;
	[tilespmem:$0x1E400] =	vst v63  }
0x13c: {  	v3 =	vld [tilespmem:s25+$0xFFFFFF20];
	_ =	sdelay $0x4  }
0x13d: {  	v49 =	vshrl.u32 v3, $0x3  }
0x13e: {  	v4 =	vmul.u32 $0x18, v49  }
0x13f: {  	v3 =	vand.u32 $0x7, v3  }
0x140: {  	v3 =	vor.u32 v3, v4  }
0x141: {  	v4 =	vperm.xlane v3, v0;
	_ =	sdelay $0x1  }
0x142: {  	v4 =	vadd.s32 v1, v4;
	_ =	sdelay $0x1  }
0x143: {  	v3 =	vperm.xlane v3, v2;
	_ =	sdelay $0x1  }
0x144: {  	s1 =	simm.s32 $0x7C00;
	v3 =	vadd.s32 v1, v3  }
0x145: {  	[tilespmem:s1], [sflag:$0x1] =	stream.indirect_vreg.gather [hbm4b:s2+s3], $0x80, v4, vm0, $0xb8;
	[tilespmem:$0x1E400] =	vst v63  }
0x146: {  	s1 =	simm.s32 $0x8400  }
0x147: {  	[tilespmem:s1], [sflag:$0x1] =	stream.indirect_vreg.gather [hbm4b:s5+s3], $0x80, v4, vm1, $0xb8;
	[tilespmem:$0x1E400] =	vst v63  }
0x148: {  	s1 =	simm.s32 $0x8800  }
0x149: {  	[tilespmem:s1], [sflag:$0x1] =	stream.indirect_vreg.gather [hbm4b:s2+s3], $0x80, v3, vm0, $0xb8;
	[tilespmem:$0x1E400] =	vst v63  }
0x14a: {  	s1 =	simm.s32 $0x9000  }
0x14b: {  	[tilespmem:s1], [sflag:$0x1] =	stream.indirect_vreg.gather [hbm4b:s5+s3], $0x80, v3, vm1, $0xb8;
	[tilespmem:$0x1E400] =	vst v63  }
0x14c: {  	v3 =	vld [tilespmem:s25+$0xFFFFFF30];
	_ =	sdelay $0x4  }
0x14d: {  	v50 =	vshrl.u32 v3, $0x3  }
0x14e: {  	v4 =	vmul.u32 $0x18, v50  }
0x14f: {  	v3 =	vand.u32 $0x7, v3  }
0x150: {  	v3 =	vor.u32 v3, v4  }
0x151: {  	v4 =	vperm.xlane v3, v0;
	_ =	sdelay $0x1  }
0x152: {  	v4 =	vadd.s32 v1, v4;
	_ =	sdelay $0x1  }
0x153: {  	v3 =	vperm.xlane v3, v2;
	_ =	sdelay $0x1  }
0x154: {  	s1 =	simm.s32 $0x9400;
	v3 =	vadd.s32 v1, v3  }
0x155: {  	[tilespmem:s1], [sflag:$0x1] =	stream.indirect_vreg.gather [hbm4b:s2+s3], $0x80, v4, vm0, $0xb8;
	[tilespmem:$0x1E400] =	vst v63  }
0x156: {  	_ = 	snop  }
0x157: {  	[tilespmem:s7], [sflag:$0x1] =	stream.indirect_vreg.gather [hbm4b:s5+s3], $0x80, v4, vm1, $0xb8;
	[tilespmem:$0x1E400] =	vst v63  }
0x158: {  	_ = 	snop  }
0x159: {  	[tilespmem:s8], [sflag:$0x1] =	stream.indirect_vreg.gather [hbm4b:s2+s3], $0x80, v3, vm0, $0xb8;
	[tilespmem:$0x1E400] =	vst v63  }
0x15a: {  	_ = 	snop  }
0x15b: {  	[tilespmem:s9], [sflag:$0x1] =	stream.indirect_vreg.gather [hbm4b:s5+s3], $0x80, v3, vm1, $0xb8;
	[tilespmem:$0x1E400] =	vst v63  }
0x15c: {  	v3 =	vld [tilespmem:s25+$0xFFFFFF40];
	_ =	sdelay $0x4  }
0x15d: {  	v51 =	vshrl.u32 v3, $0x3  }
0x15e: {  	v4 =	vmul.u32 $0x18, v51  }
0x15f: {  	v3 =	vand.u32 $0x7, v3  }
0x160: {  	v3 =	vor.u32 v3, v4  }
0x161: {  	v4 =	vperm.xlane v3, v0;
	_ =	sdelay $0x1  }
0x162: {  	v4 =	vadd.s32 v1, v4;
	_ =	sdelay $0x1  }
0x163: {  	v3 =	vperm.xlane v3, v2;
	_ =	sdelay $0x1  }
0x164: {  	v3 =	vadd.s32 v1, v3  }
0x165: {  	[tilespmem:s11], [sflag:$0x1] =	stream.indirect_vreg.gather [hbm4b:s2+s3], $0x80, v4, vm0, $0xb8;
	[tilespmem:$0x1E400] =	vst v63  }
0x166: {  	_ = 	snop  }
0x167: {  	[tilespmem:s12], [sflag:$0x1] =	stream.indirect_vreg.gather [hbm4b:s5+s3], $0x80, v4, vm1, $0xb8;
	[tilespmem:$0x1E400] =	vst v63  }
0x168: {  	_ = 	snop  }
0x169: {  	[tilespmem:s13], [sflag:$0x1] =	stream.indirect_vreg.gather [hbm4b:s2+s3], $0x80, v3, vm0, $0xb8;
	[tilespmem:$0x1E400] =	vst v63  }
0x16a: {  	_ = 	snop  }
0x16b: {  	[tilespmem:s14], [sflag:$0x1] =	stream.indirect_vreg.gather [hbm4b:s5+s3], $0x80, v3, vm1, $0xb8;
	[tilespmem:$0x1E400] =	vst v63  }
0x16c: {  	v3 =	vld [tilespmem:s25+$0xFFFFFF50];
	_ =	sdelay $0x4  }
0x16d: {  	v52 =	vshrl.u32 v3, $0x3  }
0x16e: {  	v4 =	vmul.u32 $0x18, v52  }
0x16f: {  	v3 =	vand.u32 $0x7, v3  }
0x170: {  	v3 =	vor.u32 v3, v4  }
0x171: {  	v4 =	vperm.xlane v3, v0;
	_ =	sdelay $0x1  }
0x172: {  	v4 =	vadd.s32 v1, v4;
	_ =	sdelay $0x1  }
0x173: {  	v3 =	vperm.xlane v3, v2;
	_ =	sdelay $0x1  }
0x174: {  	v3 =	vadd.s32 v1, v3  }
0x175: {  	[tilespmem:s16], [sflag:$0x1] =	stream.indirect_vreg.gather [hbm4b:s2+s3], $0x80, v4, vm0, $0xb8;
	[tilespmem:$0x1E400] =	vst v63  }
0x176: {  	_ = 	snop  }
0x177: {  	[tilespmem:s17], [sflag:$0x1] =	stream.indirect_vreg.gather [hbm4b:s5+s3], $0x80, v4, vm1, $0xb8;
	[tilespmem:$0x1E400] =	vst v63  }
0x178: {  	_ = 	snop  }
0x179: {  	[tilespmem:s18], [sflag:$0x1] =	stream.indirect_vreg.gather [hbm4b:s2+s3], $0x80, v3, vm0, $0xb8;
	[tilespmem:$0x1E400] =	vst v63  }
0x17a: {  	_ = 	snop  }
0x17b: {  	[tilespmem:s19], [sflag:$0x1] =	stream.indirect_vreg.gather [hbm4b:s5+s3], $0x80, v3, vm1, $0xb8;
	[tilespmem:$0x1E400] =	vst v63  }
0x17c: {  	v3 =	vld [tilespmem:s25+$0xFFFFFF60];
	_ =	sdelay $0x4  }
0x17d: {  	v53 =	vshrl.u32 v3, $0x3  }
0x17e: {  	v4 =	vmul.u32 $0x18, v53  }
0x17f: {  	v3 =	vand.u32 $0x7, v3  }
0x180: {  	v3 =	vor.u32 v3, v4  }
0x181: {  	v4 =	vperm.xlane v3, v0;
	_ =	sdelay $0x1  }
0x182: {  	v4 =	vadd.s32 v1, v4;
	_ =	sdelay $0x1  }
0x183: {  	v3 =	vperm.xlane v3, v2;
	_ =	sdelay $0x1  }
0x184: {  	v3 =	vadd.s32 v1, v3  }
0x185: {  	[tilespmem:s20], [sflag:$0x1] =	stream.indirect_vreg.gather [hbm4b:s2+s3], $0x80, v4, vm0, $0xb8;
	[tilespmem:$0x1E400] =	vst v63  }
0x186: {  	_ = 	snop  }
0x187: {  	[tilespmem:s10], [sflag:$0x1] =	stream.indirect_vreg.gather [hbm4b:s5+s3], $0x80, v4, vm1, $0xb8;
	[tilespmem:$0x1E400] =	vst v63  }
0x188: {  	_ = 	snop  }
0x189: {  	[tilespmem:s30], [sflag:$0x1] =	stream.indirect_vreg.gather [hbm4b:s2+s3], $0x80, v3, vm0, $0xb8;
	[tilespmem:$0x1E400] =	vst v63  }
0x18a: {  	s1 =	simm.s32 $0xF000  }
0x18b: {  	[tilespmem:s1], [sflag:$0x1] =	stream.indirect_vreg.gather [hbm4b:s5+s3], $0x80, v3, vm1, $0xb8;
	[tilespmem:$0x1E400] =	vst v63  }
0x18c: {  	v3 =	vld [tilespmem:s25+$0xFFFFFF70];
	_ =	sdelay $0x4  }
0x18d: {  	v54 =	vshrl.u32 v3, $0x3  }
0x18e: {  	v4 =	vmul.u32 $0x18, v54  }
0x18f: {  	v3 =	vand.u32 $0x7, v3  }
0x190: {  	v3 =	vor.u32 v3, v4  }
0x191: {  	v4 =	vperm.xlane v3, v0;
	_ =	sdelay $0x1  }
0x192: {  	v4 =	vadd.s32 v1, v4;
	_ =	sdelay $0x1  }
0x193: {  	v3 =	vperm.xlane v3, v2;
	_ =	sdelay $0x1  }
0x194: {  	s1 =	simm.s32 $0xF400;
	v3 =	vadd.s32 v1, v3  }
0x195: {  	[tilespmem:s1], [sflag:$0x1] =	stream.indirect_vreg.gather [hbm4b:s2+s3], $0x80, v4, vm0, $0xb8;
	[tilespmem:$0x1E400] =	vst v63  }
0x196: {  	s1 =	simm.s32 $0xFC00  }
0x197: {  	[tilespmem:s1], [sflag:$0x1] =	stream.indirect_vreg.gather [hbm4b:s5+s3], $0x80, v4, vm1, $0xb8;
	[tilespmem:$0x1E400] =	vst v63  }
0x198: {  	s1 =	simm.s32 $0x10000  }
0x199: {  	[tilespmem:s1], [sflag:$0x1] =	stream.indirect_vreg.gather [hbm4b:s2+s3], $0x80, v3, vm0, $0xb8;
	[tilespmem:$0x1E400] =	vst v63  }
0x19a: {  	s1 =	simm.s32 $0x10800  }
0x19b: {  	[tilespmem:s1], [sflag:$0x1] =	stream.indirect_vreg.gather [hbm4b:s5+s3], $0x80, v3, vm1, $0xb8;
	[tilespmem:$0x1E400] =	vst v63  }
0x19c: {  	v3 =	vld [tilespmem:s25+$0xFFFFFF80];
	_ =	sdelay $0x4  }
0x19d: {  	v55 =	vshrl.u32 v3, $0x3  }
0x19e: {  	v4 =	vmul.u32 $0x18, v55  }
0x19f: {  	v3 =	vand.u32 $0x7, v3  }
0x1a0: {  	v3 =	vor.u32 v3, v4  }
0x1a1: {  	v4 =	vperm.xlane v3, v0;
	_ =	sdelay $0x1  }
0x1a2: {  	v4 =	vadd.s32 v1, v4;
	_ =	sdelay $0x1  }
0x1a3: {  	v3 =	vperm.xlane v3, v2;
	_ =	sdelay $0x1  }
0x1a4: {  	s1 =	simm.s32 $0x10C00;
	v3 =	vadd.s32 v1, v3  }
0x1a5: {  	[tilespmem:s1], [sflag:$0x1] =	stream.indirect_vreg.gather [hbm4b:s2+s3], $0x80, v4, vm0, $0xb8;
	[tilespmem:$0x1E400] =	vst v63  }
0x1a6: {  	s1 =	simm.s32 $0x11400  }
0x1a7: {  	[tilespmem:s1], [sflag:$0x1] =	stream.indirect_vreg.gather [hbm4b:s5+s3], $0x80, v4, vm1, $0xb8;
	[tilespmem:$0x1E400] =	vst v63  }
0x1a8: {  	s1 =	simm.s32 $0x11800  }
0x1a9: {  	[tilespmem:s1], [sflag:$0x1] =	stream.indirect_vreg.gather [hbm4b:s2+s3], $0x80, v3, vm0, $0xb8;
	[tilespmem:$0x1E400] =	vst v63  }
0x1aa: {  	s1 =	simm.s32 $0x12000  }
0x1ab: {  	[tilespmem:s1], [sflag:$0x1] =	stream.indirect_vreg.gather [hbm4b:s5+s3], $0x80, v3, vm1, $0xb8;
	[tilespmem:$0x1E400] =	vst v63  }
0x1ac: {  	_ =	swait.ge [sflag:s24], $0xC000  }
0x1ad: {  	[sflag:s24] =	ssyncset.done $0x0  }
0x1ae: {  	[sflag:s24] =	ssyncadd.s32 $0xFFFF4000  }
0x1af: {  	v3 =	vld [tilespmem:s25+$0xFFFFFF90];
	_ =	sdelay $0x4  }
0x1b0: {  	v56 =	vshrl.u32 v3, $0x3  }
0x1b1: {  	v4 =	vmul.u32 $0x18, v56  }
0x1b2: {  	v3 =	vand.u32 $0x7, v3  }
0x1b3: {  	v3 =	vor.u32 v3, v4  }
0x1b4: {  	v4 =	vperm.xlane v3, v0;
	_ =	sdelay $0x1  }
0x1b5: {  	v4 =	vadd.s32 v1, v4;
	_ =	sdelay $0x1  }
0x1b6: {  	v3 =	vperm.xlane v3, v2;
	_ =	sdelay $0x1  }
0x1b7: {  	v3 =	vadd.s32 v1, v3  }
0x1b8: {  	[tilespmem:s29], [sflag:$0x2] =	stream.indirect_vreg.gather [hbm4b:s2+s3], $0x80, v4, vm0, $0xb8;
	[tilespmem:$0x1E400] =	vst v63  }
0x1b9: {  	s29 =	simm.s32 $0x12C00  }
0x1ba: {  	[tilespmem:s29], [sflag:$0x2] =	stream.indirect_vreg.gather [hbm4b:s5+s3], $0x80, v4, vm1, $0xb8;
	[tilespmem:$0x1E400] =	vst v63  }
0x1bb: {  	s29 =	simm.s32 $0x13000  }
0x1bc: {  	[tilespmem:s29], [sflag:$0x2] =	stream.indirect_vreg.gather [hbm4b:s2+s3], $0x80, v3, vm0, $0xb8;
	[tilespmem:$0x1E400] =	vst v63  }
0x1bd: {  	s29 =	simm.s32 $0x13800  }
0x1be: {  	[tilespmem:s29], [sflag:$0x2] =	stream.indirect_vreg.gather [hbm4b:s5+s3], $0x80, v3, vm1, $0xb8;
	[tilespmem:$0x1E400] =	vst v63  }
0x1bf: {  	v3 =	vld [tilespmem:s25+$0xFFFFFFA0];
	_ =	sdelay $0x4  }
0x1c0: {  	v57 =	vshrl.u32 v3, $0x3  }
0x1c1: {  	v4 =	vmul.u32 $0x18, v57  }
0x1c2: {  	v3 =	vand.u32 $0x7, v3  }
0x1c3: {  	v3 =	vor.u32 v3, v4  }
0x1c4: {  	v4 =	vperm.xlane v3, v0;
	_ =	sdelay $0x1  }
0x1c5: {  	v4 =	vadd.s32 v1, v4;
	_ =	sdelay $0x1  }
0x1c6: {  	v3 =	vperm.xlane v3, v2;
	_ =	sdelay $0x1  }
0x1c7: {  	s29 =	simm.s32 $0x13C00;
	v3 =	vadd.s32 v1, v3  }
0x1c8: {  	[tilespmem:s29], [sflag:$0x2] =	stream.indirect_vreg.gather [hbm4b:s2+s3], $0x80, v4, vm0, $0xb8;
	[tilespmem:$0x1E400] =	vst v63  }
0x1c9: {  	s29 =	simm.s32 $0x14400  }
0x1ca: {  	[tilespmem:s29], [sflag:$0x2] =	stream.indirect_vreg.gather [hbm4b:s5+s3], $0x80, v4, vm1, $0xb8;
	[tilespmem:$0x1E400] =	vst v63  }
0x1cb: {  	s29 =	simm.s32 $0x14800  }
0x1cc: {  	[tilespmem:s29], [sflag:$0x2] =	stream.indirect_vreg.gather [hbm4b:s2+s3], $0x80, v3, vm0, $0xb8;
	[tilespmem:$0x1E400] =	vst v63  }
0x1cd: {  	s29 =	simm.s32 $0x15000  }
0x1ce: {  	[tilespmem:s29], [sflag:$0x2] =	stream.indirect_vreg.gather [hbm4b:s5+s3], $0x80, v3, vm1, $0xb8;
	[tilespmem:$0x1E400] =	vst v63  }
0x1cf: {  	v3 =	vld [tilespmem:s25+$0xFFFFFFB0];
	_ =	sdelay $0x4  }
0x1d0: {  	v58 =	vshrl.u32 v3, $0x3  }
0x1d1: {  	v4 =	vmul.u32 $0x18, v58  }
0x1d2: {  	v3 =	vand.u32 $0x7, v3  }
0x1d3: {  	v3 =	vor.u32 v3, v4  }
0x1d4: {  	v4 =	vperm.xlane v3, v0;
	_ =	sdelay $0x1  }
0x1d5: {  	v4 =	vadd.s32 v1, v4;
	_ =	sdelay $0x1  }
0x1d6: {  	v3 =	vperm.xlane v3, v2;
	_ =	sdelay $0x1  }
0x1d7: {  	s29 =	simm.s32 $0x15400;
	v3 =	vadd.s32 v1, v3  }
0x1d8: {  	[tilespmem:s29], [sflag:$0x2] =	stream.indirect_vreg.gather [hbm4b:s2+s3], $0x80, v4, vm0, $0xb8;
	[tilespmem:$0x1E400] =	vst v63  }
0x1d9: {  	s29 =	simm.s32 $0x15C00  }
0x1da: {  	[tilespmem:s29], [sflag:$0x2] =	stream.indirect_vreg.gather [hbm4b:s5+s3], $0x80, v4, vm1, $0xb8;
	[tilespmem:$0x1E400] =	vst v63  }
0x1db: {  	s29 =	simm.s32 $0x16000  }
0x1dc: {  	[tilespmem:s29], [sflag:$0x2] =	stream.indirect_vreg.gather [hbm4b:s2+s3], $0x80, v3, vm0, $0xb8;
	[tilespmem:$0x1E400] =	vst v63  }
0x1dd: {  	s29 =	simm.s32 $0x16800  }
0x1de: {  	[tilespmem:s29], [sflag:$0x2] =	stream.indirect_vreg.gather [hbm4b:s5+s3], $0x80, v3, vm1, $0xb8;
	[tilespmem:$0x1E400] =	vst v63  }
0x1df: {  	v3 =	vld [tilespmem:s25+$0xFFFFFFC0];
	_ =	sdelay $0x4  }
0x1e0: {  	v59 =	vshrl.u32 v3, $0x3  }
0x1e1: {  	v4 =	vmul.u32 $0x18, v59  }
0x1e2: {  	v3 =	vand.u32 $0x7, v3  }
0x1e3: {  	v3 =	vor.u32 v3, v4  }
0x1e4: {  	v4 =	vperm.xlane v3, v0;
	_ =	sdelay $0x1  }
0x1e5: {  	v4 =	vadd.s32 v1, v4;
	_ =	sdelay $0x1  }
0x1e6: {  	v3 =	vperm.xlane v3, v2;
	_ =	sdelay $0x1  }
0x1e7: {  	s29 =	simm.s32 $0x16C00;
	v3 =	vadd.s32 v1, v3  }
0x1e8: {  	[tilespmem:s29], [sflag:$0x2] =	stream.indirect_vreg.gather [hbm4b:s2+s3], $0x80, v4, vm0, $0xb8;
	[tilespmem:$0x1E400] =	vst v63  }
0x1e9: {  	s29 =	simm.s32 $0x17400  }
0x1ea: {  	[tilespmem:s29], [sflag:$0x2] =	stream.indirect_vreg.gather [hbm4b:s5+s3], $0x80, v4, vm1, $0xb8;
	[tilespmem:$0x1E400] =	vst v63  }
0x1eb: {  	s29 =	simm.s32 $0x17800  }
0x1ec: {  	[tilespmem:s29], [sflag:$0x2] =	stream.indirect_vreg.gather [hbm4b:s2+s3], $0x80, v3, vm0, $0xb8;
	[tilespmem:$0x1E400] =	vst v63  }
0x1ed: {  	s29 =	simm.s32 $0x18000  }
0x1ee: {  	[tilespmem:s29], [sflag:$0x2] =	stream.indirect_vreg.gather [hbm4b:s5+s3], $0x80, v3, vm1, $0xb8;
	[tilespmem:$0x1E400] =	vst v63  }
0x1ef: {  	v3 =	vld [tilespmem:s25+$0xFFFFFFD0];
	_ =	sdelay $0x4  }
0x1f0: {  	v60 =	vshrl.u32 v3, $0x3  }
0x1f1: {  	v4 =	vmul.u32 $0x18, v60  }
0x1f2: {  	v3 =	vand.u32 $0x7, v3  }
0x1f3: {  	v3 =	vor.u32 v3, v4  }
0x1f4: {  	v4 =	vperm.xlane v3, v0;
	_ =	sdelay $0x1  }
0x1f5: {  	v4 =	vadd.s32 v1, v4;
	_ =	sdelay $0x1  }
0x1f6: {  	v3 =	vperm.xlane v3, v2;
	_ =	sdelay $0x1  }
0x1f7: {  	s29 =	simm.s32 $0x18400;
	v3 =	vadd.s32 v1, v3  }
0x1f8: {  	[tilespmem:s29], [sflag:$0x2] =	stream.indirect_vreg.gather [hbm4b:s2+s3], $0x80, v4, vm0, $0xb8;
	[tilespmem:$0x1E400] =	vst v63  }
0x1f9: {  	s29 =	simm.s32 $0x18C00  }
0x1fa: {  	[tilespmem:s29], [sflag:$0x2] =	stream.indirect_vreg.gather [hbm4b:s5+s3], $0x80, v4, vm1, $0xb8;
	[tilespmem:$0x1E400] =	vst v63  }
0x1fb: {  	s29 =	simm.s32 $0x19000  }
0x1fc: {  	[tilespmem:s29], [sflag:$0x2] =	stream.indirect_vreg.gather [hbm4b:s2+s3], $0x80, v3, vm0, $0xb8;
	[tilespmem:$0x1E400] =	vst v63  }
0x1fd: {  	s29 =	simm.s32 $0x19800  }
0x1fe: {  	[tilespmem:s29], [sflag:$0x2] =	stream.indirect_vreg.gather [hbm4b:s5+s3], $0x80, v3, vm1, $0xb8;
	[tilespmem:$0x1E400] =	vst v63  }
0x1ff: {  	v3 =	vld [tilespmem:s25+$0xFFFFFFE0];
	_ =	sdelay $0x4  }
0x200: {  	v61 =	vshrl.u32 v3, $0x3  }
0x201: {  	v4 =	vmul.u32 $0x18, v61  }
0x202: {  	v3 =	vand.u32 $0x7, v3  }
0x203: {  	v3 =	vor.u32 v3, v4  }
0x204: {  	v4 =	vperm.xlane v3, v0;
	_ =	sdelay $0x1  }
0x205: {  	v4 =	vadd.s32 v1, v4;
	_ =	sdelay $0x1  }
0x206: {  	v3 =	vperm.xlane v3, v2;
	_ =	sdelay $0x1  }
0x207: {  	s29 =	simm.s32 $0x19C00;
	v3 =	vadd.s32 v1, v3  }
0x208: {  	[tilespmem:s29], [sflag:$0x2] =	stream.indirect_vreg.gather [hbm4b:s2+s3], $0x80, v4, vm0, $0xb8;
	[tilespmem:$0x1E400] =	vst v63  }
0x209: {  	s29 =	simm.s32 $0x1A400  }
0x20a: {  	[tilespmem:s29], [sflag:$0x2] =	stream.indirect_vreg.gather [hbm4b:s5+s3], $0x80, v4, vm1, $0xb8;
	[tilespmem:$0x1E400] =	vst v63  }
0x20b: {  	s29 =	simm.s32 $0x1A800  }
0x20c: {  	[tilespmem:s29], [sflag:$0x2] =	stream.indirect_vreg.gather [hbm4b:s2+s3], $0x80, v3, vm0, $0xb8;
	[tilespmem:$0x1E400] =	vst v63  }
0x20d: {  	s29 =	simm.s32 $0x1B000  }
0x20e: {  	[tilespmem:s29], [sflag:$0x2] =	stream.indirect_vreg.gather [hbm4b:s5+s3], $0x80, v3, vm1, $0xb8;
	[tilespmem:$0x1E400] =	vst v63  }
0x20f: {  	v3 =	vld [tilespmem:s25+$0xFFFFFFF0];
	_ =	sdelay $0x4  }
0x210: {  	v62 =	vshrl.u32 v3, $0x3  }
0x211: {  	v4 =	vmul.u32 $0x18, v62  }
0x212: {  	v3 =	vand.u32 $0x7, v3  }
0x213: {  	v3 =	vor.u32 v3, v4  }
0x214: {  	v4 =	vperm.xlane v3, v0;
	_ =	sdelay $0x1  }
0x215: {  	v4 =	vadd.s32 v1, v4;
	_ =	sdelay $0x1  }
0x216: {  	v3 =	vperm.xlane v3, v2;
	_ =	sdelay $0x1  }
0x217: {  	s29 =	simm.s32 $0x1B400;
	v3 =	vadd.s32 v1, v3  }
0x218: {  	[tilespmem:s29], [sflag:$0x2] =	stream.indirect_vreg.gather [hbm4b:s2+s3], $0x80, v4, vm0, $0xb8;
	[tilespmem:$0x1E400] =	vst v63  }
0x219: {  	s29 =	simm.s32 $0x1BC00  }
0x21a: {  	[tilespmem:s29], [sflag:$0x2] =	stream.indirect_vreg.gather [hbm4b:s5+s3], $0x80, v4, vm1, $0xb8;
	[tilespmem:$0x1E400] =	vst v63  }
0x21b: {  	s29 =	simm.s32 $0x1C000  }
0x21c: {  	[tilespmem:s29], [sflag:$0x2] =	stream.indirect_vreg.gather [hbm4b:s2+s3], $0x80, v3, vm0, $0xb8;
	[tilespmem:$0x1E400] =	vst v63  }
0x21d: {  	s29 =	simm.s32 $0x1C800  }
0x21e: {  	[tilespmem:s29], [sflag:$0x2] =	stream.indirect_vreg.gather [hbm4b:s5+s3], $0x80, v3, vm1, $0xb8;
	[tilespmem:$0x1E400] =	vst v63  }
0x21f: {  	v3 =	vld [tilespmem:s25+$0x0];
	_ =	sdelay $0x4  }
0x220: {  	v63 =	vshrl.u32 v3, $0x3  }
0x221: {  	v4 =	vmul.u32 $0x18, v63  }
0x222: {  	v3 =	vand.u32 $0x7, v3  }
0x223: {  	v3 =	vor.u32 v3, v4  }
0x224: {  	v4 =	vperm.xlane v3, v0;
	_ =	sdelay $0x1  }
0x225: {  	v4 =	vadd.s32 v1, v4;
	_ =	sdelay $0x2  }
0x226: {  	v3 =	vperm.xlane v3, v2;
	_ =	sdelay $0x1  }
0x227: {  	v3 =	vadd.s32 v1, v3;
	[tilespmem:s31], [sflag:$0x2] =	stream.indirect_vreg.gather [hbm4b:s2+s3], $0x80, v4, vm0, $0xb8;
	[tilespmem:$0x1E400] =	vst v63  }
0x228: {  	p0 =	sne.s32 s26, $0x126000  }
0x229: {  	[tilespmem:s0], [sflag:$0x2] =	stream.indirect_vreg.gather [hbm4b:s5+s3], $0x80, v4, vm1, $0xb8;
	[tilespmem:$0x1E400] =	vst v63  }
.Ltmp0:
0x22a: {  	_ = 	snop;
	(pc) =	sbr.rel @p0 .LBB2_2-.Ltmp0, $4  }
0x22b: {  	s15 =	simm.s32 $0x6400  }
0x22c: {  	[tilespmem:s4], [sflag:$0x2] =	stream.indirect_vreg.gather [hbm4b:s2+s3], $0x80, v3, vm0, $0xb8;
	[tilespmem:$0x1E400] =	vst v63  }
0x22d: {  	s26 =	sadd.s32 $0x3000, s26;
	s1 =	simm.s32 $0x12400;
	s25 =	sadd.s32 $0x100, s25  }
0x22e: {  	[tilespmem:s6], [sflag:$0x2] =	stream.indirect_vreg.gather [hbm4b:s5+s3], $0x80, v3, vm1, $0xb8;
	[tilespmem:$0x1E400] =	vst v63  }
0x22f: {  	_ =	swait.ge [sflag:s21], $0xC000  }
0x230: {  	[sflag:s21] =	ssyncset.done $0x0  }
0x231: {  	s25 =	rddreg [dreg:$0x6];
	[sflag:s21] =	ssyncadd.s32 $0xFFFF4000  }
0x232: {  	[hbm4b:s25+s3] =	stream.linear.scatter [tilespmem:s15], [sflag:$0x3], $0xC000, $0x38;
	[tilespmem:$0x1E400] =	vst v63  }
0x233: {  	_ =	swait.ge [sflag:s22], $0xC000  }
0x234: {  	[sflag:s22] =	ssyncset.done $0x0  }
0x235: {  	s20 =	rddreg [dreg:$0x7];
	[sflag:s22] =	ssyncadd.s32 $0xFFFF4000  }
0x236: {  	[hbm4b:s20+s3] =	stream.linear.scatter [tilespmem:s1], [sflag:$0x4], $0xC000, $0x38;
	[tilespmem:$0x1E400] =	vst v63  }
0x237: {  	_ =	swait.ge [sflag:s23], $0xC000  }
0x238: {  	[sflag:s23] =	ssyncset.done $0x0  }
0x239: {  	s29 =	simm.s32 $0x7800;
	s30 =	simm.s32 $0x7C00;
	[sflag:s23] =	ssyncadd.s32 $0xFFFF4000  }
0x23a: {  	s4 =	simm.s32 $0x9000;
	s6 =	simm.s32 $0x9400;
	_ =	swait.ge [sflag:s24], $0xC000  }
0x23b: {  	s7 =	simm.s32 $0x9C00;
	s8 =	simm.s32 $0xA000;
	s0 =	rddreg [dreg:$0x9]  }
0x23c: {  	s9 =	simm.s32 $0xA800;
	s26 =	rddreg [dreg:$0x8];
	s0 =	sadd.s32 $0x1, s0  }
0x23d: {  	s11 =	simm.s32 $0xAC00;
	s12 =	simm.s32 $0xB400;
	p0 =	sne.s32 s0, s26  }
.Ltmp1:
0x23e: {  	s13 =	simm.s32 $0xB800;
	s14 =	simm.s32 $0xC000;
	(pc) =	sbr.rel @p0 .LBB2_1-.Ltmp1, $4  }
0x23f: {  	s16 =	simm.s32 $0xC400;
	s17 =	simm.s32 $0xCC00;
	s18 =	simm.s32 $0xD000  }
0x240: {  	s19 =	simm.s32 $0xD800;
	s10 =	simm.s32 $0xE400;
	[sflag:s24] =	ssyncset.done $0x0  }
0x241: {  	s31 =	simm.s32 $0xE800;
	s20 =	simm.s32 $0x8400;
	[sflag:s24] =	ssyncadd.s32 $0xFFFF4000  }
0x242: {  	[dreg:$0x9] =	wrdreg s0;
	s26 =	simm.s32 $0x7000;
	s0 =	simm.s32 $0x8800  }
0x243: {  	_ =	sfence.sel $0x180000  }
0x244: {  	[bflag:$0x0] =	sbarrier.arrive $0xFFFF  }
0x245: {  	_ =	strace $0x90000047  }
0x246: {  	s0 =	stileid.u32;
	[bflag:$0x2] =	sbarrier.arrive $0xFFFF  }
0x247: {  	p0 =	sne.s32 s0, $0x0;
	s0 =	rddreg [dreg:$0x2]  }
0x248: {  	s0 =	sadd.s32 @!p0 $0x100000, s0  }
0x249: {  	[sflag:s0] =	ssyncadd.tile.s32 @!p0 $0x1;
	_ =	shalt  }
.Lfunc_end2:
_tile_overlayer_lowered:
.L_overlay_start_2:
0x24a: {  	(tag) =	ssettag $0x2  }
0x24b: {  	s0 =	rddreg [dreg:$0x0];
	s2 =	stileid.u32  }
0x24c: {  	s1 =	rddreg [dreg:$0x1];
	p0 =	sne.s32 s2, $0x0  }
0x24d: {  	s3 =	rddreg [dreg:$0x2];
	[bflag:$0x3] =	sbarrier.arrive $0xFFFF;
	s2 =	simm.s32 @!p0 $0x1C05  }
0x24e: {  	[timem:s3], [sflag:s2] =	dma.local @!p0 [hbm:s0], s1  }
0x24f: {  	s0 =	simm.s32 @!p0 $0x5  }
0x250: {  	_ =	swait.ge @!p0 [sflag:s0], s1  }
0x251: {  	s1 =	ssub.s32 @!p0 $0x0, s1;
	[sflag:s0] =	ssyncset.done @!p0 $0x0  }
0x252: {  	[sflag:s0] =	ssyncadd.s32 @!p0 s1  }
0x253: {  	[bflag:$0x3] =	sbarrier.arrive $0xFFFF  }
0x254: {  	_ =	shalt  }

// kernel: sparse-core-data-format-call.cloned.1.call-start
scs
called_computation_lowered:
.L_overlay_start_0:
0x0: {  	s2 =	sld [smem:$0x3FD9]  }
0x1: {  	s3 =	sld [smem:$0x3FFE];
	_ =	sdelay $0x1  }
0x2: {  	s1 =	srdreg.scid  }
0x3: {  	s0 =	sand.u32 $0x1, s1  }
0x4: {  	s18 =	sshll.u32 s0, $0xA;
	s2 =	sadd.s32 s3, s2  }
0x5: {  	s2 =	sadd.s32 s2, s18  }
0x6: {  	[smem:$0x3FC6] =	sst s2  }
0x7: {  	_ = 	snop  }
0x8: {  	s2 =	sld [smem:$0x3FD0];
	(tm) =	ssettm $0x1  }
0x9: {  	s19 =	sld [smem:$0x3FFB];
	_ =	sdelay $0x3  }
0xa: {  	_ =	strace s19  }
0xb: {  	s3 =	sld [smem:$0x3FFC];
	_ =	sdelay $0x3  }
0xc: {  	_ =	strace s3  }
0xd: {  	s3 =	sld [smem:$0x3FFD];
	_ =	sdelay $0x3  }
0xe: {  	_ =	strace s3  }
0xf: {  	_ =	strace $0x8FFFFFFF  }
0x10: {  	s20 =	sld [smem:$0x3FDB];
	_ =	sdelay $0x1  }
0x11: {  	s4 =	simm.s32 $_scs_section_size  }
0x12: {  	s5 =	simm.s32 $_size__tile_overlayer_lowered;
	s6 =	simm.s32 $_tile_overlayer_lowered  }
0x13: {  	s23 =	simm.s32 $0x1BFF;
	s22 =	sshll.u32 s6, $0x1;
	s3 =	sadd.s32 s4, s20  }
0x14: {  	s7 =	simm.s32 $0x0;
	s21 =	sshll.u32 s5, $0x1;
	s5 =	sadd.s32 s22, s3  }
0x15: {  	[timem:s7], [sflag:s23] =	dma.local [hbm:s5], s21  }
0x16: {  	_ =	swait.ge [sflag:s23], s21  }
0x17: {  	s4 =	ssub.s32 $0x0, s21;
	[sflag:s23] =	ssyncset.done $0x0  }
0x18: {  	[sflag:s23] =	ssyncadd.s32 s4;
	_ =	sdelay $0x1  }
0x19: {  	s24 =	simm.s32 $0x1B8B  }
0x1a: {  	_ =	swait.ge [sflag:s24], $0x1  }
0x1b: {  	[sflag:s24] =	ssyncset.done $0x0  }
0x1c: {  	s26 =	simm.s32 $0x1B8E;
	s25 =	sld [smem:$0x3FFE];
	[sflag:s24] =	ssyncadd.s32 $0xFFFFFFFF  }
0x1d: {  	s27 =	simm.s32 $execute0_lowered;
	[smem:$0x3FD2] =	sst s26  }
0x1e: {  	s5 =	sshll.u32 s27, $0x1;
	_ =	strace $0x80000049;
	[dreg:$0x1] =	wrdreg $0xFFFFFFFF  }
0x1f: {  	s28 =	simm.s32 $_size_execute0_lowered;
	s3 =	sadd.s32 s3, s5;
	[dreg:$0x0] =	wrdreg $0x0  }
0x20: {  	s5 =	sshll.u32 s28, $0x1;
	[dreg:$0x2] =	wrdreg s3  }
0x21: {  	[dreg:$0x3] =	wrdreg s5  }
0x22: {  	[dreg:$0x4] =	wrdreg $0xC0  }
0x23: {  	_ =	task [dreg:s7], $0x5FFFF  }
0x24: {  	[dreg:$0x1] =	wrdreg $0xFFFFFFFF  }
0x25: {  	[dreg:$0x0] =	wrdreg $0x60  }
0x26: {  	[dreg:$0x2] =	wrdreg s25  }
0x27: {  	[dreg:$0x3] =	wrdreg s2  }
0x28: {  	[dreg:$0x4] =	wrdreg $0x9  }
0x29: {  	_ =	task.clear_ibuf [dreg:s7], $0x5FFFF;
	_ =	strace $0x90000049  }
0x2a: {  	s29 =	simm.s32 $0x9;
	_ =	strace $0x8000004B  }
0x2b: {  	_ =	swait.ge [sflag:s29], $0x1  }
0x2c: {  	[sflag:s29] =	ssyncadd.s32 $0xFFFFFFFF  }
0x2d: {  	_ =	strace $0x9000004B  }
0x2e: {  	_ =	sfence  }
0x2f: {  	s30 =	sld [smem:$0x0];
	_ =	sdelay $0x2  }
0x30: {  	s31 =	sshll.u32 s1, $0xD;
	s1 =	sshrl.u32 s1, $0x2  }
0x31: {  	s3 =	sand.u32 $0x4000, s31;
	s1 =	sadd.s32 s1, s30  }
0x32: {  	s0 =	sor.u32 s3, s0;
	s1 =	sshll.u32 s1, $0x11  }
0x33: {  	s0 =	sor.u32 s1, s0  }
0x34: {  	s0 =	sadd.s32 $0x8F2B, s0  }
0x35: {  	[sflag:s0] =	ssyncadd.remote.s32 $0x1  }
0x36: {  	_ =	sfence.sel $0xFFFF  }
0x37: {  	[dreg:$0x0] =	wrdreg $0xFFFFFFFF;
	(pc) =	sbr.abs _section_cstart, $3  }
0x38: {  	[dreg:$0x1] =	wrdreg $0xFFFFFFFF  }
0x39: {  	_ =	task.clear_ibuf [dreg:s7], $0x2FFFF;
	_ =	strace $0x9FFFFFFF  }
0x3a: {  	(tm) =	ssettm $0x7FFFFFFF  }
0x3b: {  	_ =	shalt  }
tec
execute0_lowered:
.L_overlay_start_1:
0x0: {  	(tag) =	ssettag $0x1  }
0x1: {  	s0 =	srdreg.scid;
	s6 =	rddreg [dreg:$0x0]  }
0x2: {  	s3 =	rddreg [dreg:$0x1];
	s1 =	sshll.u32 s0, $0x4  }
0x3: {  	s5 =	simm.s32 $0x1;
	s0 =	stileid.u32;
	s1 =	sand.u32 $0x10, s1  }
0x4: {  	s31 =	simm.s32 $0x2;
	s18 =	simm.s32 $0x0;
	s1 =	sor.u32 s0, s1  }
0x5: {  	s8 =	simm.s32 $0xC8000;
	s17 =	simm.s32 $0x0;
	s2 =	sshll.u32 s1, $0x7  }
0x6: {  	s16 =	simm.s32 $0x0;
	s9 =	simm.s32 $0x0;
	s4 =	ssub.s32 $0x1000, s2  }
0x7: {  	s10 =	simm.s32 $0x0;
	s11 =	simm.s32 $0x0;
	s30 =	sand.u32 $0xF80, s4  }
0x8: {  	s12 =	simm.s32 $0x0;
	s13 =	simm.s32 $0x0;
	p0 =	sne.s32 s30, $0x0  }
.Ltmp0:
0x9: {  	s7 =	sshrl.u32 s4, $0xC;
	s5 =	simm.s32 @!p0 $0x0;
	(pc) =	sbr.rel .LBB1_1-.Ltmp0, $4  }
0xa: {  	s15 =	simm.s32 $0x0;
	s1 =	rddreg [dreg:$0x2];
	s5 =	sadd.s32 s5, s7  }
0xb: {  	_ =	strace $0x8000004A;
	s4 =	simm.s32 $0x1;
	s5 =	smul.u32 $0x258, s5  }
0xc: {  	s6 =	sadd.s32 $0x19800, s6;
	s14 =	smov.u32 s2;
	[sflag:s4] =	ssyncpa.u1 $0x0  }
0xd: {  	[sflag:s31] =	ssyncpa.u1 $0x0;
	p0 =	por $0x0, $0x0;
	s7 =	sor.u32 $0x1, s5  }
.LBB1_4:
0xe: {  	s23 =	sshra.s32 s23, $0x2;
	s24 =	sshll.u32 s10, $0xC  }
0xf: {  	p1 =	sgt.s32 s10, $0xC7;
	s26 =	smov.u32 s10;
	s27 =	sshra.s32 s10, $0x1F  }
0x10: {  	s28 =	smov.u32 s9;
	s29 =	sshra.s32 s11, $0x1F;
	s22 =	sadd.s32 s23, s22  }
0x11: {  	s30 =	sand.u32 $0xFFFF8000, s24;
	s24 =	sshll.u32 s11, $0x3;
	s26 =	simm.s32 @!p1 $0xC7  }
0x12: {  	p1 =	sgt.s32 s9, $0xAC;
	s27 =	sand.u32 s27, s10;
	s31 =	sand.u32 s29, s11  }
0x13: {  	s29 =	sshll.u32 s10, $0x7;
	s25 =	sand.u32 $0xFFFFFC00, s24;
	s28 =	simm.s32 @!p1 $0xAC  }
0x14: {  	p1 =	sgt.s32 s11, $0xF80;
	s23 =	sadd.s32 s25, s30;
	s25 =	ssub.s32 s26, s27  }
0x15: {  	[tilespmem:s21+$0x2040 ss:$0x81] =	vst.msk $0xffff, v4;
	s27 =	smov.u32 s11;
	s30 =	sshra.s32 s9, $0x1F;
	s26 =	sadd.s32 $0xFFFFFF39, s25  }
0x16: {  	v5 =	vld [tilespmem:s20+$0xFFFFFFD0];
	[tilespmem:s21+$0x2850 ss:$0x81] =	vst.msk $0xffff, v3;
	s27 =	simm.s32 @!p1 $0xF80;
	s23 =	sshrl.u32 s23, $0xC;
	s25 =	ssub.s32 $0xC8, s25  }
0x17: {  	v58 =	vld [tilespmem:s20+$0xFFFFFFE0];
	[tilespmem:s21+$0x3060 ss:$0x81] =	vst.msk $0xffff, v2;
	p1 =	sgt.s32 s26, $0x0;
	s26 =	ssub.s32 s27, s31;
	s27 =	sand.u32 s30, s9  }
0x18: {  	v59 =	vld [tilespmem:s20+$0xFFFFFFF0];
	[tilespmem:s21+$0x0 ss:$0x81] =	vst.msk $0xffff, v1;
	s21 =	smulhi.u32 $0x147AE15, s23;
	s30 =	sand.u32 $0x78, s11;
	s27 =	ssub.s32 s28, s27  }
0x19: {  	v60 =	vld [tilespmem:s20+$0x0];
	s25 =	simm.s32 @p1 $0x0;
	s31 =	sadd.s32 $0xFFFFF080, s26;
	s26 =	ssub.s32 $0x1000, s26  }
0x1a: {  	v61 =	vld [tilespmem:s20+$0x10];
	[tilespmem:s22+$0x3870 ss:$0x81] =	vst.msk $0xffff, v0;
	p1 =	sgt.s32 s31, $0x7F;
	s28 =	sadd.s32 $0xFFFFFF54, s27;
	s31 =	sand.u32 $0x380, s29  }
0x1b: {  	v62 =	vld [tilespmem:s20+$0x20];
	[tilespmem:s22+$0x810 ss:$0x81] =	vst.msk $0xffff, v5;
	s29 =	sand.u32 $0xC00, s24;
	s21 =	smul.u32 $0xC8, s21;
	s24 =	ssub.s32 $0x12C, s27  }
0x1c: {  	v63 =	vld [tilespmem:s20+$0xFFFFFFC0];
	[tilespmem:s22+$0x1020 ss:$0x81] =	vst.msk $0xffff, v58;
	s26 =	simm.s32 @p1 $0x0;
	s20 =	sor.u32 s30, s29;
	s30 =	smul.u32 $0x19000, s9  }
0x1d: {  	[tilespmem:s22+$0x1830 ss:$0x81] =	vst.msk $0xffff, v59;
	p1 =	sgt.s32 s28, $0x7F;
	s28 =	sand.u32 $0x7, s11;
	s25 =	smul.u32 s26, s25  }
0x1e: {  	[tilespmem:s22+$0x2040 ss:$0x81] =	vst.msk $0xffff, v60;
	s24 =	simm.s32 @p1 $0x0;
	s20 =	sor.u32 s31, s20;
	s21 =	ssub.s32 s23, s21  }
0x1f: {  	[tilespmem:s22+$0x2850 ss:$0x81] =	vst.msk $0xffff, v61;
	s20 =	sshrl.u32 s20, $0x3;
	s27 =	sadd.s32 s3, s30;
	s31 =	smul.u32 s24, s25  }
0x20: {  	[tilespmem:s22+$0x3060 ss:$0x81] =	vst.msk $0xffff, v62;
	s29 =	sshll.u32 s28, $0x12;
	s21 =	sshll.u32 s21, $0x9;
	s20 =	sadd.s32 s20, s27  }
0x21: {  	[tilespmem:s22+$0x0 ss:$0x81] =	vst.msk $0xffff, v63;
	s20 =	sadd.s32 s21, s20;
	s30 =	sand.u32 $0x3FFFFFFF, s31;
	s31 =	sor.u32 $0x80, s29  }
0x22: {  	[hbm4b:s20+s31] =	stream.strided.scatter [tilespmem:s19], [sflag:$0x2], s30, s8, s31, $0x20;
	[tilespmem:$0x10100] =	vst v63  }
.LBB1_5:
0x23: {  	p1 =	slt.u32 s15, $0x2  }
0x24: {  	p2 =	sgt.s32 @!p1 s18, $0xAC  }
0x25: {  	s19 =	smov.u32 s18;
	s20 =	sshra.s32 @!p1 s18, $0x1F;
	p2 =	por !p2, p1  }
0x26: {  	s18 =	sand.u32 @!p1 s20, s18;
	s19 =	simm.s32 @p2 $0xAC  }
0x27: {  	s20 =	sshra.s32 @!p1 s17, $0x1F;
	p2 =	sgt.s32 @!p1 s17, $0xC7;
	s18 =	ssub.s32 @!p1 s19, s18  }
0x28: {  	p2 =	por !p2, p1;
	s19 =	smov.u32 s17;
	s17 =	sand.u32 @!p1 s20, s17  }
0x29: {  	s20 =	sshra.s32 @!p1 s16, $0x1F;
	s19 =	simm.s32 @p2 $0xC7;
	p2 =	sgt.s32 @!p1 s16, $0xF80  }
0x2a: {  	s17 =	ssub.s32 @!p1 s19, s17;
	p2 =	por !p2, p1;
	s19 =	smov.u32 s16  }
0x2b: {  	s16 =	sand.u32 @!p1 s20, s16;
	s20 =	sadd.s32 @!p1 $0xFFFFFF39, s17;
	s19 =	simm.s32 @p2 $0xF80  }
0x2c: {  	p2 =	sgt.s32 @!p1 s20, $0x0;
	s16 =	ssub.s32 @!p1 s19, s16  }
0x2d: {  	s17 =	ssub.s32 @!p1 $0xC8, s17;
	p2 =	por !p2, p1;
	s19 =	sadd.s32 @!p1 $0xFFFFF080, s16  }
0x2e: {  	s17 =	simm.s32 @!p2 $0x0;
	p2 =	sgt.s32 @!p1 s19, $0x7F  }
0x2f: {  	s21 =	smov.u32 s14;
	s16 =	ssub.s32 @!p1 $0x1000, s16;
	p2 =	por !p2, p1  }
0x30: {  	s20 =	sadd.s32 @!p1 $0xFFFFFF54, s18;
	s19 =	sadd.s32 $0x80, s12;
	s16 =	simm.s32 @!p2 $0x0  }
0x31: {  	p2 =	sgt.s32 s19, $0x12B;
	s16 =	smul.u32 @!p1 s16, s17;
	s17 =	simm.s32 $0x1  }
0x32: {  	p0 =	por !p0, !p0;
	p3 =	sgt.s32 @!p1 s20, $0x7F;
	s17 =	simm.s32 @!p2 $0x0  }
0x33: {  	s18 =	ssub.s32 @!p1 $0x12C, s18;
	p3 =	por !p3, p1;
	s20 =	sadd.s32 s17, s13  }
0x34: {  	s18 =	simm.s32 @!p3 $0x0;
	s17 =	sadd.s32 $0x1000, s14;
	p3 =	sgt.s32 s20, $0xC7  }
0x35: {  	s22 =	simm.s32 @!p1 $0x2;
	s19 =	simm.s32 @p2 $0x0;
	s21 =	smov.u32 @p3 s17  }
0x36: {  	s16 =	smul.u32 @!p1 s18, s16;
	s18 =	smov.u32 s9;
	p2 =	sgt.s32 s21, $0xFFF  }
0x37: {  	s9 =	smov.u32 s12;
	s21 =	smov.u32 @p2 s2;
	p2 =	sne.s32 s15, s7  }
.Ltmp1:
0x38: {  	s12 =	smov.u32 s19;
	s16 =	sand.u32 @!p1 $0x3FFFFFFF, s16;
	(pc) =	sbr.rel @!p2 .LBB1_6-.Ltmp1, $4  }
0x39: {  	s20 =	simm.s32 @p3 $0x0;
	s17 =	smov.u32 s10;
	s10 =	smov.u32 s13  }
0x3a: {  	_ =	swait.ge @!p1 [sflag:s22], s16;
	s23 =	ssub.s32 @!p1 $0x0, s16;
	s16 =	smov.u32 s11  }
0x3b: {  	s11 =	smov.u32 s14;
	s13 =	smov.u32 s20;
	[sflag:s22] =	ssyncset.done @!p1 $0x0  }
0x3c: {  	s15 =	sadd.s32 $0x1, s15;
	[sflag:s22] =	ssyncadd.s32 @!p1 s23;
	s14 =	smov.u32 s21  }
.LBB1_1:
0x3d: {  	p1 =	sge.u32 s15, s5  }
0x3e: {  	s19 =	sshrl.u32 @!p1 s13, $0x3  }
0x3f: {  	s20 =	sshll.u32 @!p1 s12, $0x3;
	s19 =	smul.u32 @!p1 $0xC00, s19  }
0x40: {  	s21 =	sshll.u32 @!p1 s13, $0x7;
	s20 =	sand.u32 @!p1 $0xFFFFFC00, s20  }
0x41: {  	s19 =	sadd.s32 @!p1 s19, s20;
	s20 =	sand.u32 @!p1 $0x380, s21  }
0x42: {  	s19 =	sor.u32 @!p1 s20, s19  }
0x43: {  	s20 =	sand.u32 @!p1 $0x7F, s12;
	s21 =	smulhi.u32 @!p1 $0xAAAAAAAB, s19  }
0x44: {  	s19 =	sor.u32 @!p1 s20, s19  }
0x45: {  	s20 =	smulhi.u32 @!p1 $0xAAAAAAAB, s19;
	s21 =	sshrl.u32 @!p1 s21, $0x8  }
0x46: {  	s22 =	smulhi.u32 @!p1 $0x147AE15, s21;
	_ =	sdelay $0x1  }
0x47: {  	s20 =	sshrl.u32 @!p1 s20, $0x8;
	s22 =	smul.u32 @!p1 $0xC8, s22  }
0x48: {  	s31 =	sadd.s32 $0xFFFFFFFF, s15;
	s20 =	smul.u32 @!p1 $0x180, s20  }
0x49: {  	s23 =	sxor.u32 @!p1 $0xFFFFFFFF, s15;
	s21 =	ssub.s32 @!p1 s21, s22;
	s22 =	smul.u32 @!p1 $0x2580, s14  }
0x4a: {  	s23 =	sshll.u32 @!p1 s23, $0xE;
	s19 =	ssub.s32 @!p1 s19, s20;
	s20 =	smul.u32 @!p1 $0x30, s21  }
0x4b: {  	s21 =	sand.u32 @!p1 $0x4000, s23;
	s23 =	sand.u32 @!p1 $0x7, s19;
	s22 =	sadd.s32 @!p1 s6, s22  }
0x4c: {  	s19 =	sshrl.u32 @!p1 s19, $0x3;
	s20 =	sadd.s32 @!p1 s20, s22;
	s22 =	sshll.u32 @!p1 s23, $0x12  }
0x4d: {  	s19 =	sadd.s32 @!p1 s19, s20;
	s20 =	sor.u32 @!p1 $0x80, s22;
	s22 =	simm.s32 @!p1 $0x12C00  }
0x4e: {  	[tilespmem:s21], [sflag:$0x1] =	stream.strided.gather @!p1 [hbm4b:s19+s20], $0x4000, s22, s20, $0x38;
	[tilespmem:$0x10100] =	vst v63  }
0x4f: {  	p1 =	sge.u32 s31, s5  }
.Ltmp2:
0x50: {  	_ = 	snop;
	(pc) =	sbr.rel @p1 .LBB1_5-.Ltmp2, $1  }
0x51: {  	_ =	sdelay $0x3  }
0x52: {  	s19 =	simm.s32 $0x1  }
0x53: {  	_ =	swait.ge [sflag:s4], $0x4000;
	s19 =	simm.s32 @!p0 $0x0  }
0x54: {  	[sflag:s4] =	ssyncset.done $0x0;
	s20 =	sshll.u32 s19, $0xE  }
0x55: {  	[sflag:s4] =	ssyncadd.s32 $0xFFFFC000;
	s20 =	sor.u32 $0x40, s20  }
0x56: {  	s19 =	smul.u32 $0x10200, s19;
	v0 =	vld [tilespmem:s20+$0x30]  }
0x57: {  	v1 =	vld [tilespmem:s20+$0xFFFFFFD0]  }
0x58: {  	s19 =	sshrl.u32 s19, $0x2;
	v5 =	vld [tilespmem:s20+$0xFFFFFFE0]  }
0x59: {  	v6 =	vld [tilespmem:s20+$0xFFFFFFF0];
	s22 =	sor.u32 $0x8000, s19  }
0x5a: {  	s31 =	sand.u32 $0x1, s15;
	v4 =	vld [tilespmem:s20+$0x0];
	s21 =	sadd.s32 $0x0, s22  }
0x5b: {  	v3 =	vld [tilespmem:s20+$0x10];
	s19 =	smul.u32 $0x10200, s31;
	[tilespmem:s21+$0x3870 ss:$0x81] =	vst.msk $0xffff, v0  }
0x5c: {  	v2 =	vld [tilespmem:s20+$0x20];
	[tilespmem:s21+$0x810 ss:$0x81] =	vst.msk $0xffff, v1  }
0x5d: {  	s19 =	sshrl.u32 s19, $0x2;
	v1 =	vld [tilespmem:s20+$0xFFFFFFC0];
	[tilespmem:s21+$0x1020 ss:$0x81] =	vst.msk $0xffff, v5;
	s20 =	sadd.s32 $0x80, s20  }
0x5e: {  	s23 =	simm.s32 $0x4;
	s24 =	simm.s32 $0x8;
	s19 =	sor.u32 $0x8000, s19;
	[tilespmem:s21+$0x1830 ss:$0x81] =	vst.msk $0xffff, v6;
	v0 =	vld [tilespmem:s20+$0x30]  }
.LBB1_3:
0x5f: {  	p1 =	sne.s32 s24, $0x1FC;
	v5 =	vld [tilespmem:s20+$0xFFFFFFD0];
	[tilespmem:s21+$0x2040 ss:$0x81] =	vst.msk $0xffff, v4  }
0x60: {  	v6 =	vld [tilespmem:s20+$0xFFFFFFE0];
	[tilespmem:s21+$0x2850 ss:$0x81] =	vst.msk $0xffff, v3  }
0x61: {  	s25 =	sshra.s32 s23, $0x2;
	s23 =	smov.u32 s24;
	v7 =	vld [tilespmem:s20+$0xFFFFFFF0];
	[tilespmem:s21+$0x3060 ss:$0x81] =	vst.msk $0xffff, v2  }
.Ltmp3:
0x62: {  	v4 =	vld [tilespmem:s20+$0x0];
	[tilespmem:s21+$0x0 ss:$0x81] =	vst.msk $0xffff, v1;
	s21 =	sadd.s32 s25, s22;
	(pc) =	sbr.rel @p1 .LBB1_3-.Ltmp3, $4  }
0x63: {  	v3 =	vld [tilespmem:s20+$0x10];
	[tilespmem:s21+$0x3870 ss:$0x81] =	vst.msk $0xffff, v0  }
0x64: {  	[tilespmem:s21+$0x810 ss:$0x81] =	vst.msk $0xffff, v5;
	v2 =	vld [tilespmem:s20+$0x20]  }
0x65: {  	v1 =	vld [tilespmem:s20+$0xFFFFFFC0];
	[tilespmem:s21+$0x1020 ss:$0x81] =	vst.msk $0xffff, v6;
	s20 =	sadd.s32 $0x80, s20  }
0x66: {  	s24 =	sadd.s32 $0x4, s24;
	v0 =	vld [tilespmem:s20+$0x30];
	[tilespmem:s21+$0x1830 ss:$0x81] =	vst.msk $0xffff, v7  }
.Ltmp4:
0x67: {  	_ = 	snop;
	(pc) =	sbr.rel .LBB1_4-.Ltmp4, $1  }
0x68: {  	_ =	sdelay $0x3  }
.LBB1_6:
0x69: {  	_ =	sfence.sel $0x180000  }
0x6a: {  	s2 =	simm.s32 $0x1;
	[bflag:$0x0] =	sbarrier.arrive $0xFFFF  }
0x6b: {  	s31 =	simm.s32 $0x2;
	[sflag:s2] =	ssyncpa.u1 $0x1  }
0x6c: {  	[sflag:s31] =	ssyncpa.u1 $0x1  }
0x6d: {  	p0 =	sne.s32 s0, $0x0;
	_ =	strace $0x9000004A  }
0x6e: {  	s0 =	sadd.s32 @!p0 $0x100000, s1;
	[bflag:$0x2] =	sbarrier.arrive $0xFFFF  }
0x6f: {  	[sflag:s0] =	ssyncadd.tile.s32 @!p0 $0x1;
	_ =	shalt  }
.Lfunc_end1:
_tile_overlayer_lowered:
.L_overlay_start_2:
0x70: {  	(tag) =	ssettag $0x2  }
0x71: {  	s0 =	rddreg [dreg:$0x0];
	s2 =	stileid.u32  }
0x72: {  	s1 =	rddreg [dreg:$0x1];
	p0 =	sne.s32 s2, $0x0  }
0x73: {  	s3 =	rddreg [dreg:$0x2];
	[bflag:$0x3] =	sbarrier.arrive $0xFFFF;
	s2 =	simm.s32 @!p0 $0x1C01  }
0x74: {  	[timem:s3], [sflag:s2] =	dma.local @!p0 [hbm:s0], s1  }
0x75: {  	s0 =	simm.s32 @!p0 $0x1  }
0x76: {  	_ =	swait.ge @!p0 [sflag:s0], s1  }
0x77: {  	s1 =	ssub.s32 @!p0 $0x0, s1;
	[sflag:s0] =	ssyncset.done @!p0 $0x0  }
0x78: {  	[sflag:s0] =	ssyncadd.s32 @!p0 s1  }
0x79: {  	[bflag:$0x3] =	sbarrier.arrive $0xFFFF  }
0x7a: {  	_ =	shalt  }

</sc_bundles>
